<compile_context>
chip_gen: v7x
topology: tpu7x:2x2x1
jax: 0.10.2.dev20260603
libtpu: 0.0.44.dev20260713+nightly
codegen_flags: <defaults>
</compile_context>

<pallas_src>
import functools

import jax
import jax.numpy as jnp
from jax import lax
from jax.experimental import pallas as pl
from jax.experimental.pallas import tpu as pltpu
from jax.experimental.pallas import tpu_sc as plsc

NC = 2
TPS = 16
CH = 128


def _make_sc_propagate(N, HD, K, N_pad, CPT):
    R = (K + 1) * NC * N_pad
    RPT = N_pad // TPS

    mesh = plsc.VectorSubcoreMesh(core_axis_name="c", subcore_axis_name="s")

    @functools.partial(
        pl.kernel,
        out_type=jax.ShapeDtypeStruct((R, HD), jnp.float32),
        mesh=mesh,
        scratch_types=[
            pltpu.VMEM((CPT, CH), jnp.int32),
            pltpu.VMEM((CPT, CH), jnp.int32),
            pltpu.VMEM((CH, HD), jnp.float32),
            pltpu.VMEM((CH, HD), jnp.float32),
            pltpu.VMEM_SHARED((N_pad, HD), jnp.float32),
            pltpu.SemaphoreType.DMA,
            pltpu.SemaphoreType.DMA,
        ],
        compiler_params=pltpu.CompilerParams(use_tc_tiling_on_sc=False),
    )
    def body(xs_hbm, srcb_hbm, dstb_hbm, zeros_hbm, hs_hbm,
             src_v, dst_v, rows0_v, rows1_v, accum, sem0, sem1):
        c = lax.axis_index("c")
        s = lax.axis_index("s")
        base_row = s * RPT

        pltpu.sync_copy(dstb_hbm.at[s], dst_v)

        for q in range(RPT // CH):
            r0 = base_row + q * CH
            pltpu.sync_copy(xs_hbm.at[c, pl.ds(r0, CH)], rows0_v)
            pltpu.sync_copy(rows0_v, hs_hbm.at[pl.ds(c * N_pad + r0, CH)])
        rem = RPT % CH
        if rem:
            r0 = base_row + (RPT // CH) * CH
            pltpu.sync_copy(xs_hbm.at[c, pl.ds(r0, rem)],
                            rows0_v.at[pl.ds(0, rem)])
            pltpu.sync_copy(rows0_v.at[pl.ds(0, rem)],
                            hs_hbm.at[pl.ds(c * N_pad + r0, rem)])
        pltpu.sync_copy(zeros_hbm, accum.at[pl.ds(base_row, RPT)])
        plsc.subcore_barrier()

        def hop(k, carry):
            pltpu.sync_copy(srcb_hbm.at[k - 1, c, s], src_v)

            pltpu.async_copy(hs_hbm.at[src_v.at[0]], rows0_v, sem0)

            def chunk2(i, cc):
                j0 = 2 * i
                j1 = j0 + 1
                pltpu.async_copy(hs_hbm.at[src_v.at[j1]], rows1_v, sem1)
                pltpu.make_async_copy(hs_hbm.at[src_v.at[j0]], rows0_v,
                                      sem0).wait()
                pltpu.sync_copy(rows0_v, accum.at[dst_v.at[j0]], add=True)

                @pl.when(j1 + 1 < CPT)
                def _():
                    pltpu.async_copy(hs_hbm.at[src_v.at[j1 + 1]], rows0_v, sem0)

                pltpu.make_async_copy(hs_hbm.at[src_v.at[j1]], rows1_v,
                                      sem1).wait()
                pltpu.sync_copy(rows1_v, accum.at[dst_v.at[j1]], add=True)
                return cc

            lax.fori_loop(0, CPT // 2, chunk2, 0)
            plsc.subcore_barrier()

            orow = (k * NC + c) * N_pad + base_row
            pltpu.sync_copy(accum.at[pl.ds(base_row, RPT)],
                            hs_hbm.at[pl.ds(orow, RPT)])
            pltpu.sync_copy(zeros_hbm, accum.at[pl.ds(base_row, RPT)])
            plsc.subcore_barrier()
            return carry

        lax.fori_loop(1, K + 1, hop, 0)

    return body


def _make_tc_combine(N, D, HD, K, N_pad):
    BN = 1000

    def body(att_ref, hs_ref, out_ref):
        a = att_ref[...]
        m = jnp.max(a, axis=-1, keepdims=True)
        e = jnp.exp(a - m)
        w = e / jnp.sum(e, axis=-1, keepdims=True)
        halves = []
        for cc in range(NC):
            acc = jnp.zeros((BN, HD), jnp.float32)
            for k in range(K + 1):
                wk = w[:, k:k + 1]
                acc = acc + wk * hs_ref[k, cc]
            halves.append(acc)
        out_ref[...] = jnp.concatenate(halves, axis=-1)

    return pl.pallas_call(
        body,
        grid=(N // BN,),
        in_specs=[
            pl.BlockSpec((1, K + 1), lambda i: (0, 0)),
            pl.BlockSpec((K + 1, NC, BN, HD), lambda i: (0, 0, i, 0)),
        ],
        out_specs=pl.BlockSpec((BN, D), lambda i: (i, 0)),
        out_shape=jax.ShapeDtypeStruct((N, D), jnp.float32),
    )


def kernel(x, edge_index, att):
    N, D = x.shape
    E = edge_index.shape[1]
    K = att.shape[0] - 1
    HD = D // NC
    N_pad = -(-(N + 1) // (TPS * 8)) * (TPS * 8)
    CPT = -(-E // (TPS * CH))
    CPT += CPT % 2
    E_pad = TPS * CPT * CH

    src = edge_index[0]
    dst = edge_index[1]
    pad = E_pad - E
    src_p = jnp.concatenate([src, jnp.zeros((pad,), jnp.int32)])
    dst_p = jnp.concatenate([dst, jnp.full((pad,), N, jnp.int32)])

    bias = (jnp.arange(K)[:, None] * NC + jnp.arange(NC)[None, :]) * N_pad
    srcb = (bias[:, :, None] + src_p[None, None, :]).reshape(K, NC, TPS, CPT, CH)
    dstb = dst_p.reshape(TPS, CPT, CH)

    xs = jnp.stack([x[:, :HD], x[:, HD:]])
    xs = jnp.pad(xs, ((0, 0), (0, N_pad - N), (0, 0)))
    zeros = jnp.zeros((N_pad // TPS, HD), jnp.float32)

    hs = _make_sc_propagate(N, HD, K, N_pad, CPT)(
        xs, srcb.astype(jnp.int32), dstb, zeros)
    hs4 = hs.reshape(K + 1, NC, N_pad, HD)
    out = _make_tc_combine(N, D, HD, K, N_pad)(att.reshape(1, K + 1), hs4)
    return out

# --- scband reference (transcript-rebuilt; emitter-appended) ---
"""Pipeline reference for scband-dagnn-6760278524489 (READ-ONLY COPY).

The authoritative reference and input builder live on the scoring server;
editing this copy changes nothing except your own understanding.
"""

import jax, jax.numpy as jnp
import numpy as np

N = 10000
E = 320000
D = 128
K = 8

def setup_inputs(seed: int = 0) -> dict:
    key = jax.random.key(seed)
    k1, k2, k3 = jax.random.split(key, 3)
    x = jax.random.normal(k1, (N, D), dtype=jnp.float32)
    edge_index = jax.random.randint(k2, (2, E), 0, N, dtype=jnp.int32)
    # learned parameter: attention over K+1 hop representations, init uniform(0,1)
    att = jax.random.uniform(k3, (K + 1,), dtype=jnp.float32, minval=0.0, maxval=1.0)
    return {"x": x, "edge_index": edge_index, "att": att}

def reference(x, edge_index, att):
    # DAGNN forward (eval mode: dropout disabled for determinism).
    # Each propagation step is APPNP.propagate called directly with edge_weight=1:
    #   out[dst] += edge_weight * x[src]  (scatter-add over edges)
    src = edge_index[0]
    dst = edge_index[1]
    edge_weight = jnp.ones((edge_index.shape[1],), dtype=x.dtype)
    xs = [x]
    h = x
    for _ in range(K):
        msgs = h[src] * edge_weight[:, None]          # gather + scale
        h = jax.ops.segment_sum(msgs, dst, num_segments=N)  # scatter-add
        xs.append(h)
    out = jnp.stack(xs, axis=-1)                      # [N, D, K+1]
    att_weights = jax.nn.softmax(att, axis=0)
    out = (out * att_weights.reshape(1, 1, -1)).sum(axis=-1)
    return out

if __name__ == "__main__":
    import jax
    _d = setup_inputs()
    print(jax.jit(kernel)(*tuple(_d.values())))

</pallas_src>

<mosaic_0001>
#map = affine_map<(d0, d1) -> (0, 0, 0)>
#map1 = affine_map<(d0, d1) -> (0, 0, 0, 0, 0)>
#map2 = affine_map<(d0, d1) -> (0, 0)>
module attributes {stable_mosaic.version = 14 : i64} {
  func.func @body(%arg0: i32, %arg1: i32, %arg2: memref<2x10112x64xf32, #tpu.memory_space<hbm>>, %arg3: memref<8x2x16x158x128xi32, #tpu.memory_space<hbm>>, %arg4: memref<16x158x128xi32, #tpu.memory_space<hbm>>, %arg5: memref<632x64xf32, #tpu.memory_space<hbm>>, %arg6: memref<182016x64xf32, #tpu.memory_space<hbm>>, %arg7: memref<158x128xi32, #tpu.memory_space<vmem>>, %arg8: memref<158x128xi32, #tpu.memory_space<vmem>>, %arg9: memref<128x64xf32, #tpu.memory_space<vmem>>, %arg10: memref<128x64xf32, #tpu.memory_space<vmem>>, %arg11: memref<10112x64xf32, #tpu.memory_space<vmem_shared>>, %arg12: memref<!tpu.dma_semaphore, #tpu.memory_space<semaphore_mem>>, %arg13: memref<!tpu.dma_semaphore, #tpu.memory_space<semaphore_mem>>) attributes {dimension_semantics = [#tpu.dimension_semantics<core_parallel>, #tpu.dimension_semantics<subcore_parallel>], iteration_bounds = array<i64: 2, 16>, scalar_prefetch = 0 : i64, scratch_operands = 7 : i64, tpu.core_type = #tpu.core_type<sc_vector_subcore>, window_params = [{transform_indices = #map}, {transform_indices = #map1}, {transform_indices = #map}, {transform_indices = #map2}, {transform_indices = #map2}]} {
    %mul3A = arith.constant 632 : i32
    %mul3A_0 = arith.muli %arg1, %mul3A : i32
    "tpu.region"() ({
      %run_scoped3A = tpu.sem_alloc : memref<!tpu.dma_semaphore, #tpu.memory_space<semaphore_mem>>
      %dma_start3A = arith.constant 0 : i32
      %dma_start3A_30 = arith.constant 0 : i32
      %dma_start3A_31 = tpu.memref_slice %arg4[%arg1, %dma_start3A, %dma_start3A_30] : memref<16x158x128xi32, #tpu.memory_space<hbm>> -> memref<1x158x128xi32, #tpu.memory_space<hbm>>
      %dma_start3A_32 = tpu.memref_squeeze %dma_start3A_31 : memref<1x158x128xi32, #tpu.memory_space<hbm>> -> memref<158x128xi32, #tpu.memory_space<hbm>>
      %dma_start3A_33 = arith.constant 0 : i32
      %dma_start3A_34 = arith.constant 0 : i32
      %dma_start3A_35 = tpu.memref_slice %arg4[%arg1, %dma_start3A_33, %dma_start3A_34] : memref<16x158x128xi32, #tpu.memory_space<hbm>> -> memref<1x158x128xi32, #tpu.memory_space<hbm>>
      %dma_start3A_36 = tpu.memref_squeeze %dma_start3A_35 : memref<1x158x128xi32, #tpu.memory_space<hbm>> -> memref<158x128xi32, #tpu.memory_space<hbm>>
      tpu.enqueue_dma source(%dma_start3A_36 : memref<158x128xi32, #tpu.memory_space<hbm>>) target(%arg8 : memref<158x128xi32, #tpu.memory_space<vmem>>) target_semaphore(%run_scoped3A : memref<!tpu.dma_semaphore, #tpu.memory_space<semaphore_mem>>)
      %dma_wait3A = arith.constant 0 : i32
      %dma_wait3A_37 = arith.constant 0 : i32
      %dma_wait3A_38 = tpu.memref_slice %arg4[%arg1, %dma_wait3A, %dma_wait3A_37] : memref<16x158x128xi32, #tpu.memory_space<hbm>> -> memref<1x158x128xi32, #tpu.memory_space<hbm>>
      %dma_wait3A_39 = tpu.memref_squeeze %dma_wait3A_38 : memref<1x158x128xi32, #tpu.memory_space<hbm>> -> memref<158x128xi32, #tpu.memory_space<hbm>>
      %dma_wait3A_40 = arith.constant 0 : i32
      %dma_wait3A_41 = arith.constant 0 : i32
      %dma_wait3A_42 = tpu.memref_slice %arg4[%arg1, %dma_wait3A_40, %dma_wait3A_41] : memref<16x158x128xi32, #tpu.memory_space<hbm>> -> memref<1x158x128xi32, #tpu.memory_space<hbm>>
      %dma_wait3A_43 = tpu.memref_squeeze %dma_wait3A_42 : memref<1x158x128xi32, #tpu.memory_space<hbm>> -> memref<158x128xi32, #tpu.memory_space<hbm>>
      tpu.wait_dma2 semaphore(%run_scoped3A : memref<!tpu.dma_semaphore, #tpu.memory_space<semaphore_mem>>) src(%dma_wait3A_43 : memref<158x128xi32, #tpu.memory_space<hbm>>) dst(%arg8 : memref<158x128xi32, #tpu.memory_space<vmem>>)
      tpu.yield
    }) : () -> ()
    %add3A = arith.constant 0 : i32
    %add3A_1 = arith.addi %mul3A_0, %add3A : i32
    "tpu.region"() ({
      %run_scoped3A = tpu.sem_alloc : memref<!tpu.dma_semaphore, #tpu.memory_space<semaphore_mem>>
      %dma_start3A = arith.constant 0 : i32
      %dma_start3A_30 = tpu.memref_slice %arg2[%arg0, %add3A_1, %dma_start3A] : memref<2x10112x64xf32, #tpu.memory_space<hbm>> -> memref<1x128x64xf32, #tpu.memory_space<hbm>>
      %dma_start3A_31 = tpu.memref_squeeze %dma_start3A_30 : memref<1x128x64xf32, #tpu.memory_space<hbm>> -> memref<128x64xf32, #tpu.memory_space<hbm>>
      %dma_start3A_32 = arith.constant 0 : i32
      %dma_start3A_33 = tpu.memref_slice %arg2[%arg0, %add3A_1, %dma_start3A_32] : memref<2x10112x64xf32, #tpu.memory_space<hbm>> -> memref<1x128x64xf32, #tpu.memory_space<hbm>>
      %dma_start3A_34 = tpu.memref_squeeze %dma_start3A_33 : memref<1x128x64xf32, #tpu.memory_space<hbm>> -> memref<128x64xf32, #tpu.memory_space<hbm>>
      tpu.enqueue_dma source(%dma_start3A_34 : memref<128x64xf32, #tpu.memory_space<hbm>>) target(%arg9 : memref<128x64xf32, #tpu.memory_space<vmem>>) target_semaphore(%run_scoped3A : memref<!tpu.dma_semaphore, #tpu.memory_space<semaphore_mem>>)
      %dma_wait3A = arith.constant 0 : i32
      %dma_wait3A_35 = tpu.memref_slice %arg2[%arg0, %add3A_1, %dma_wait3A] : memref<2x10112x64xf32, #tpu.memory_space<hbm>> -> memref<1x128x64xf32, #tpu.memory_space<hbm>>
      %dma_wait3A_36 = tpu.memref_squeeze %dma_wait3A_35 : memref<1x128x64xf32, #tpu.memory_space<hbm>> -> memref<128x64xf32, #tpu.memory_space<hbm>>
      %dma_wait3A_37 = arith.constant 0 : i32
      %dma_wait3A_38 = tpu.memref_slice %arg2[%arg0, %add3A_1, %dma_wait3A_37] : memref<2x10112x64xf32, #tpu.memory_space<hbm>> -> memref<1x128x64xf32, #tpu.memory_space<hbm>>
      %dma_wait3A_39 = tpu.memref_squeeze %dma_wait3A_38 : memref<1x128x64xf32, #tpu.memory_space<hbm>> -> memref<128x64xf32, #tpu.memory_space<hbm>>
      tpu.wait_dma2 semaphore(%run_scoped3A : memref<!tpu.dma_semaphore, #tpu.memory_space<semaphore_mem>>) src(%dma_wait3A_39 : memref<128x64xf32, #tpu.memory_space<hbm>>) dst(%arg9 : memref<128x64xf32, #tpu.memory_space<vmem>>)
      tpu.yield
    }) : () -> ()
    %mul3A_2 = arith.constant 10112 : i32
    %mul3A_3 = arith.muli %arg0, %mul3A_2 : i32
    %add3A_4 = arith.addi %mul3A_3, %add3A_1 : i32
    "tpu.region"() ({
      %run_scoped3A = tpu.sem_alloc : memref<!tpu.dma_semaphore, #tpu.memory_space<semaphore_mem>>
      %dma_start3A = arith.constant 0 : i32
      %dma_start3A_30 = tpu.memref_slice %arg6[%add3A_4, %dma_start3A] : memref<182016x64xf32, #tpu.memory_space<hbm>> -> memref<128x64xf32, #tpu.memory_space<hbm>>
      %dma_start3A_31 = arith.constant 0 : i32
      %dma_start3A_32 = tpu.memref_slice %arg6[%add3A_4, %dma_start3A_31] : memref<182016x64xf32, #tpu.memory_space<hbm>> -> memref<128x64xf32, #tpu.memory_space<hbm>>
      tpu.enqueue_dma source(%arg9 : memref<128x64xf32, #tpu.memory_space<vmem>>) target(%dma_start3A_32 : memref<128x64xf32, #tpu.memory_space<hbm>>) target_semaphore(%run_scoped3A : memref<!tpu.dma_semaphore, #tpu.memory_space<semaphore_mem>>)
      %dma_wait3A = arith.constant 0 : i32
      %dma_wait3A_33 = tpu.memref_slice %arg6[%add3A_4, %dma_wait3A] : memref<182016x64xf32, #tpu.memory_space<hbm>> -> memref<128x64xf32, #tpu.memory_space<hbm>>
      %dma_wait3A_34 = arith.constant 0 : i32
      %dma_wait3A_35 = tpu.memref_slice %arg6[%add3A_4, %dma_wait3A_34] : memref<182016x64xf32, #tpu.memory_space<hbm>> -> memref<128x64xf32, #tpu.memory_space<hbm>>
      tpu.wait_dma2 semaphore(%run_scoped3A : memref<!tpu.dma_semaphore, #tpu.memory_space<semaphore_mem>>) src(%arg9 : memref<128x64xf32, #tpu.memory_space<vmem>>) dst(%dma_wait3A_35 : memref<128x64xf32, #tpu.memory_space<hbm>>)
      tpu.yield
    }) : () -> ()
    %add3A_5 = arith.constant 128 : i32
    %add3A_6 = arith.addi %mul3A_0, %add3A_5 : i32
    "tpu.region"() ({
      %run_scoped3A = tpu.sem_alloc : memref<!tpu.dma_semaphore, #tpu.memory_space<semaphore_mem>>
      %dma_start3A = arith.constant 0 : i32
      %dma_start3A_30 = tpu.memref_slice %arg2[%arg0, %add3A_6, %dma_start3A] : memref<2x10112x64xf32, #tpu.memory_space<hbm>> -> memref<1x128x64xf32, #tpu.memory_space<hbm>>
      %dma_start3A_31 = tpu.memref_squeeze %dma_start3A_30 : memref<1x128x64xf32, #tpu.memory_space<hbm>> -> memref<128x64xf32, #tpu.memory_space<hbm>>
      %dma_start3A_32 = arith.constant 0 : i32
      %dma_start3A_33 = tpu.memref_slice %arg2[%arg0, %add3A_6, %dma_start3A_32] : memref<2x10112x64xf32, #tpu.memory_space<hbm>> -> memref<1x128x64xf32, #tpu.memory_space<hbm>>
      %dma_start3A_34 = tpu.memref_squeeze %dma_start3A_33 : memref<1x128x64xf32, #tpu.memory_space<hbm>> -> memref<128x64xf32, #tpu.memory_space<hbm>>
      tpu.enqueue_dma source(%dma_start3A_34 : memref<128x64xf32, #tpu.memory_space<hbm>>) target(%arg9 : memref<128x64xf32, #tpu.memory_space<vmem>>) target_semaphore(%run_scoped3A : memref<!tpu.dma_semaphore, #tpu.memory_space<semaphore_mem>>)
      %dma_wait3A = arith.constant 0 : i32
      %dma_wait3A_35 = tpu.memref_slice %arg2[%arg0, %add3A_6, %dma_wait3A] : memref<2x10112x64xf32, #tpu.memory_space<hbm>> -> memref<1x128x64xf32, #tpu.memory_space<hbm>>
      %dma_wait3A_36 = tpu.memref_squeeze %dma_wait3A_35 : memref<1x128x64xf32, #tpu.memory_space<hbm>> -> memref<128x64xf32, #tpu.memory_space<hbm>>
      %dma_wait3A_37 = arith.constant 0 : i32
      %dma_wait3A_38 = tpu.memref_slice %arg2[%arg0, %add3A_6, %dma_wait3A_37] : memref<2x10112x64xf32, #tpu.memory_space<hbm>> -> memref<1x128x64xf32, #tpu.memory_space<hbm>>
      %dma_wait3A_39 = tpu.memref_squeeze %dma_wait3A_38 : memref<1x128x64xf32, #tpu.memory_space<hbm>> -> memref<128x64xf32, #tpu.memory_space<hbm>>
      tpu.wait_dma2 semaphore(%run_scoped3A : memref<!tpu.dma_semaphore, #tpu.memory_space<semaphore_mem>>) src(%dma_wait3A_39 : memref<128x64xf32, #tpu.memory_space<hbm>>) dst(%arg9 : memref<128x64xf32, #tpu.memory_space<vmem>>)
      tpu.yield
    }) : () -> ()
    %mul3A_7 = arith.constant 10112 : i32
    %mul3A_8 = arith.muli %arg0, %mul3A_7 : i32
    %add3A_9 = arith.addi %mul3A_8, %add3A_6 : i32
    "tpu.region"() ({
      %run_scoped3A = tpu.sem_alloc : memref<!tpu.dma_semaphore, #tpu.memory_space<semaphore_mem>>
      %dma_start3A = arith.constant 0 : i32
      %dma_start3A_30 = tpu.memref_slice %arg6[%add3A_9, %dma_start3A] : memref<182016x64xf32, #tpu.memory_space<hbm>> -> memref<128x64xf32, #tpu.memory_space<hbm>>
      %dma_start3A_31 = arith.constant 0 : i32
      %dma_start3A_32 = tpu.memref_slice %arg6[%add3A_9, %dma_start3A_31] : memref<182016x64xf32, #tpu.memory_space<hbm>> -> memref<128x64xf32, #tpu.memory_space<hbm>>
      tpu.enqueue_dma source(%arg9 : memref<128x64xf32, #tpu.memory_space<vmem>>) target(%dma_start3A_32 : memref<128x64xf32, #tpu.memory_space<hbm>>) target_semaphore(%run_scoped3A : memref<!tpu.dma_semaphore, #tpu.memory_space<semaphore_mem>>)
      %dma_wait3A = arith.constant 0 : i32
      %dma_wait3A_33 = tpu.memref_slice %arg6[%add3A_9, %dma_wait3A] : memref<182016x64xf32, #tpu.memory_space<hbm>> -> memref<128x64xf32, #tpu.memory_space<hbm>>
      %dma_wait3A_34 = arith.constant 0 : i32
      %dma_wait3A_35 = tpu.memref_slice %arg6[%add3A_9, %dma_wait3A_34] : memref<182016x64xf32, #tpu.memory_space<hbm>> -> memref<128x64xf32, #tpu.memory_space<hbm>>
      tpu.wait_dma2 semaphore(%run_scoped3A : memref<!tpu.dma_semaphore, #tpu.memory_space<semaphore_mem>>) src(%arg9 : memref<128x64xf32, #tpu.memory_space<vmem>>) dst(%dma_wait3A_35 : memref<128x64xf32, #tpu.memory_space<hbm>>)
      tpu.yield
    }) : () -> ()
    %add3A_10 = arith.constant 256 : i32
    %add3A_11 = arith.addi %mul3A_0, %add3A_10 : i32
    "tpu.region"() ({
      %run_scoped3A = tpu.sem_alloc : memref<!tpu.dma_semaphore, #tpu.memory_space<semaphore_mem>>
      %dma_start3A = arith.constant 0 : i32
      %dma_start3A_30 = tpu.memref_slice %arg2[%arg0, %add3A_11, %dma_start3A] : memref<2x10112x64xf32, #tpu.memory_space<hbm>> -> memref<1x128x64xf32, #tpu.memory_space<hbm>>
      %dma_start3A_31 = tpu.memref_squeeze %dma_start3A_30 : memref<1x128x64xf32, #tpu.memory_space<hbm>> -> memref<128x64xf32, #tpu.memory_space<hbm>>
      %dma_start3A_32 = arith.constant 0 : i32
      %dma_start3A_33 = tpu.memref_slice %arg2[%arg0, %add3A_11, %dma_start3A_32] : memref<2x10112x64xf32, #tpu.memory_space<hbm>> -> memref<1x128x64xf32, #tpu.memory_space<hbm>>
      %dma_start3A_34 = tpu.memref_squeeze %dma_start3A_33 : memref<1x128x64xf32, #tpu.memory_space<hbm>> -> memref<128x64xf32, #tpu.memory_space<hbm>>
      tpu.enqueue_dma source(%dma_start3A_34 : memref<128x64xf32, #tpu.memory_space<hbm>>) target(%arg9 : memref<128x64xf32, #tpu.memory_space<vmem>>) target_semaphore(%run_scoped3A : memref<!tpu.dma_semaphore, #tpu.memory_space<semaphore_mem>>)
      %dma_wait3A = arith.constant 0 : i32
      %dma_wait3A_35 = tpu.memref_slice %arg2[%arg0, %add3A_11, %dma_wait3A] : memref<2x10112x64xf32, #tpu.memory_space<hbm>> -> memref<1x128x64xf32, #tpu.memory_space<hbm>>
      %dma_wait3A_36 = tpu.memref_squeeze %dma_wait3A_35 : memref<1x128x64xf32, #tpu.memory_space<hbm>> -> memref<128x64xf32, #tpu.memory_space<hbm>>
      %dma_wait3A_37 = arith.constant 0 : i32
      %dma_wait3A_38 = tpu.memref_slice %arg2[%arg0, %add3A_11, %dma_wait3A_37] : memref<2x10112x64xf32, #tpu.memory_space<hbm>> -> memref<1x128x64xf32, #tpu.memory_space<hbm>>
      %dma_wait3A_39 = tpu.memref_squeeze %dma_wait3A_38 : memref<1x128x64xf32, #tpu.memory_space<hbm>> -> memref<128x64xf32, #tpu.memory_space<hbm>>
      tpu.wait_dma2 semaphore(%run_scoped3A : memref<!tpu.dma_semaphore, #tpu.memory_space<semaphore_mem>>) src(%dma_wait3A_39 : memref<128x64xf32, #tpu.memory_space<hbm>>) dst(%arg9 : memref<128x64xf32, #tpu.memory_space<vmem>>)
      tpu.yield
    }) : () -> ()
    %mul3A_12 = arith.constant 10112 : i32
    %mul3A_13 = arith.muli %arg0, %mul3A_12 : i32
    %add3A_14 = arith.addi %mul3A_13, %add3A_11 : i32
    "tpu.region"() ({
      %run_scoped3A = tpu.sem_alloc : memref<!tpu.dma_semaphore, #tpu.memory_space<semaphore_mem>>
      %dma_start3A = arith.constant 0 : i32
      %dma_start3A_30 = tpu.memref_slice %arg6[%add3A_14, %dma_start3A] : memref<182016x64xf32, #tpu.memory_space<hbm>> -> memref<128x64xf32, #tpu.memory_space<hbm>>
      %dma_start3A_31 = arith.constant 0 : i32
      %dma_start3A_32 = tpu.memref_slice %arg6[%add3A_14, %dma_start3A_31] : memref<182016x64xf32, #tpu.memory_space<hbm>> -> memref<128x64xf32, #tpu.memory_space<hbm>>
      tpu.enqueue_dma source(%arg9 : memref<128x64xf32, #tpu.memory_space<vmem>>) target(%dma_start3A_32 : memref<128x64xf32, #tpu.memory_space<hbm>>) target_semaphore(%run_scoped3A : memref<!tpu.dma_semaphore, #tpu.memory_space<semaphore_mem>>)
      %dma_wait3A = arith.constant 0 : i32
      %dma_wait3A_33 = tpu.memref_slice %arg6[%add3A_14, %dma_wait3A] : memref<182016x64xf32, #tpu.memory_space<hbm>> -> memref<128x64xf32, #tpu.memory_space<hbm>>
      %dma_wait3A_34 = arith.constant 0 : i32
      %dma_wait3A_35 = tpu.memref_slice %arg6[%add3A_14, %dma_wait3A_34] : memref<182016x64xf32, #tpu.memory_space<hbm>> -> memref<128x64xf32, #tpu.memory_space<hbm>>
      tpu.wait_dma2 semaphore(%run_scoped3A : memref<!tpu.dma_semaphore, #tpu.memory_space<semaphore_mem>>) src(%arg9 : memref<128x64xf32, #tpu.memory_space<vmem>>) dst(%dma_wait3A_35 : memref<128x64xf32, #tpu.memory_space<hbm>>)
      tpu.yield
    }) : () -> ()
    %add3A_15 = arith.constant 384 : i32
    %add3A_16 = arith.addi %mul3A_0, %add3A_15 : i32
    "tpu.region"() ({
      %run_scoped3A = tpu.sem_alloc : memref<!tpu.dma_semaphore, #tpu.memory_space<semaphore_mem>>
      %dma_start3A = arith.constant 0 : i32
      %dma_start3A_30 = tpu.memref_slice %arg2[%arg0, %add3A_16, %dma_start3A] : memref<2x10112x64xf32, #tpu.memory_space<hbm>> -> memref<1x128x64xf32, #tpu.memory_space<hbm>>
      %dma_start3A_31 = tpu.memref_squeeze %dma_start3A_30 : memref<1x128x64xf32, #tpu.memory_space<hbm>> -> memref<128x64xf32, #tpu.memory_space<hbm>>
      %dma_start3A_32 = arith.constant 0 : i32
      %dma_start3A_33 = tpu.memref_slice %arg2[%arg0, %add3A_16, %dma_start3A_32] : memref<2x10112x64xf32, #tpu.memory_space<hbm>> -> memref<1x128x64xf32, #tpu.memory_space<hbm>>
      %dma_start3A_34 = tpu.memref_squeeze %dma_start3A_33 : memref<1x128x64xf32, #tpu.memory_space<hbm>> -> memref<128x64xf32, #tpu.memory_space<hbm>>
      tpu.enqueue_dma source(%dma_start3A_34 : memref<128x64xf32, #tpu.memory_space<hbm>>) target(%arg9 : memref<128x64xf32, #tpu.memory_space<vmem>>) target_semaphore(%run_scoped3A : memref<!tpu.dma_semaphore, #tpu.memory_space<semaphore_mem>>)
      %dma_wait3A = arith.constant 0 : i32
      %dma_wait3A_35 = tpu.memref_slice %arg2[%arg0, %add3A_16, %dma_wait3A] : memref<2x10112x64xf32, #tpu.memory_space<hbm>> -> memref<1x128x64xf32, #tpu.memory_space<hbm>>
      %dma_wait3A_36 = tpu.memref_squeeze %dma_wait3A_35 : memref<1x128x64xf32, #tpu.memory_space<hbm>> -> memref<128x64xf32, #tpu.memory_space<hbm>>
      %dma_wait3A_37 = arith.constant 0 : i32
      %dma_wait3A_38 = tpu.memref_slice %arg2[%arg0, %add3A_16, %dma_wait3A_37] : memref<2x10112x64xf32, #tpu.memory_space<hbm>> -> memref<1x128x64xf32, #tpu.memory_space<hbm>>
      %dma_wait3A_39 = tpu.memref_squeeze %dma_wait3A_38 : memref<1x128x64xf32, #tpu.memory_space<hbm>> -> memref<128x64xf32, #tpu.memory_space<hbm>>
      tpu.wait_dma2 semaphore(%run_scoped3A : memref<!tpu.dma_semaphore, #tpu.memory_space<semaphore_mem>>) src(%dma_wait3A_39 : memref<128x64xf32, #tpu.memory_space<hbm>>) dst(%arg9 : memref<128x64xf32, #tpu.memory_space<vmem>>)
      tpu.yield
    }) : () -> ()
    %mul3A_17 = arith.constant 10112 : i32
    %mul3A_18 = arith.muli %arg0, %mul3A_17 : i32
    %add3A_19 = arith.addi %mul3A_18, %add3A_16 : i32
    "tpu.region"() ({
      %run_scoped3A = tpu.sem_alloc : memref<!tpu.dma_semaphore, #tpu.memory_space<semaphore_mem>>
      %dma_start3A = arith.constant 0 : i32
      %dma_start3A_30 = tpu.memref_slice %arg6[%add3A_19, %dma_start3A] : memref<182016x64xf32, #tpu.memory_space<hbm>> -> memref<128x64xf32, #tpu.memory_space<hbm>>
      %dma_start3A_31 = arith.constant 0 : i32
      %dma_start3A_32 = tpu.memref_slice %arg6[%add3A_19, %dma_start3A_31] : memref<182016x64xf32, #tpu.memory_space<hbm>> -> memref<128x64xf32, #tpu.memory_space<hbm>>
      tpu.enqueue_dma source(%arg9 : memref<128x64xf32, #tpu.memory_space<vmem>>) target(%dma_start3A_32 : memref<128x64xf32, #tpu.memory_space<hbm>>) target_semaphore(%run_scoped3A : memref<!tpu.dma_semaphore, #tpu.memory_space<semaphore_mem>>)
      %dma_wait3A = arith.constant 0 : i32
      %dma_wait3A_33 = tpu.memref_slice %arg6[%add3A_19, %dma_wait3A] : memref<182016x64xf32, #tpu.memory_space<hbm>> -> memref<128x64xf32, #tpu.memory_space<hbm>>
      %dma_wait3A_34 = arith.constant 0 : i32
      %dma_wait3A_35 = tpu.memref_slice %arg6[%add3A_19, %dma_wait3A_34] : memref<182016x64xf32, #tpu.memory_space<hbm>> -> memref<128x64xf32, #tpu.memory_space<hbm>>
      tpu.wait_dma2 semaphore(%run_scoped3A : memref<!tpu.dma_semaphore, #tpu.memory_space<semaphore_mem>>) src(%arg9 : memref<128x64xf32, #tpu.memory_space<vmem>>) dst(%dma_wait3A_35 : memref<128x64xf32, #tpu.memory_space<hbm>>)
      tpu.yield
    }) : () -> ()
    %add3A_20 = arith.constant 512 : i32
    %add3A_21 = arith.addi %mul3A_0, %add3A_20 : i32
    "tpu.region"() ({
      %run_scoped3A = tpu.sem_alloc : memref<!tpu.dma_semaphore, #tpu.memory_space<semaphore_mem>>
      %dma_start3A = arith.constant 0 : i32
      %dma_start3A_30 = arith.constant 0 : i32
      %dma_start3A_31 = tpu.memref_slice %arg9[%dma_start3A, %dma_start3A_30] : memref<128x64xf32, #tpu.memory_space<vmem>> -> memref<120x64xf32, #tpu.memory_space<vmem>>
      %dma_start3A_32 = arith.constant 0 : i32
      %dma_start3A_33 = tpu.memref_slice %arg2[%arg0, %add3A_21, %dma_start3A_32] : memref<2x10112x64xf32, #tpu.memory_space<hbm>> -> memref<1x120x64xf32, #tpu.memory_space<hbm>>
      %dma_start3A_34 = tpu.memref_squeeze %dma_start3A_33 : memref<1x120x64xf32, #tpu.memory_space<hbm>> -> memref<120x64xf32, #tpu.memory_space<hbm>>
      %dma_start3A_35 = arith.constant 0 : i32
      %dma_start3A_36 = arith.constant 0 : i32
      %dma_start3A_37 = tpu.memref_slice %arg9[%dma_start3A_35, %dma_start3A_36] : memref<128x64xf32, #tpu.memory_space<vmem>> -> memref<120x64xf32, #tpu.memory_space<vmem>>
      %dma_start3A_38 = arith.constant 0 : i32
      %dma_start3A_39 = tpu.memref_slice %arg2[%arg0, %add3A_21, %dma_start3A_38] : memref<2x10112x64xf32, #tpu.memory_space<hbm>> -> memref<1x120x64xf32, #tpu.memory_space<hbm>>
      %dma_start3A_40 = tpu.memref_squeeze %dma_start3A_39 : memref<1x120x64xf32, #tpu.memory_space<hbm>> -> memref<120x64xf32, #tpu.memory_space<hbm>>
      tpu.enqueue_dma source(%dma_start3A_40 : memref<120x64xf32, #tpu.memory_space<hbm>>) target(%dma_start3A_37 : memref<120x64xf32, #tpu.memory_space<vmem>>) target_semaphore(%run_scoped3A : memref<!tpu.dma_semaphore, #tpu.memory_space<semaphore_mem>>)
      %dma_wait3A = arith.constant 0 : i32
      %dma_wait3A_41 = arith.constant 0 : i32
      %dma_wait3A_42 = tpu.memref_slice %arg9[%dma_wait3A, %dma_wait3A_41] : memref<128x64xf32, #tpu.memory_space<vmem>> -> memref<120x64xf32, #tpu.memory_space<vmem>>
      %dma_wait3A_43 = arith.constant 0 : i32
      %dma_wait3A_44 = tpu.memref_slice %arg2[%arg0, %add3A_21, %dma_wait3A_43] : memref<2x10112x64xf32, #tpu.memory_space<hbm>> -> memref<1x120x64xf32, #tpu.memory_space<hbm>>
      %dma_wait3A_45 = tpu.memref_squeeze %dma_wait3A_44 : memref<1x120x64xf32, #tpu.memory_space<hbm>> -> memref<120x64xf32, #tpu.memory_space<hbm>>
      %dma_wait3A_46 = arith.constant 0 : i32
      %dma_wait3A_47 = arith.constant 0 : i32
      %dma_wait3A_48 = tpu.memref_slice %arg9[%dma_wait3A_46, %dma_wait3A_47] : memref<128x64xf32, #tpu.memory_space<vmem>> -> memref<120x64xf32, #tpu.memory_space<vmem>>
      %dma_wait3A_49 = arith.constant 0 : i32
      %dma_wait3A_50 = tpu.memref_slice %arg2[%arg0, %add3A_21, %dma_wait3A_49] : memref<2x10112x64xf32, #tpu.memory_space<hbm>> -> memref<1x120x64xf32, #tpu.memory_space<hbm>>
      %dma_wait3A_51 = tpu.memref_squeeze %dma_wait3A_50 : memref<1x120x64xf32, #tpu.memory_space<hbm>> -> memref<120x64xf32, #tpu.memory_space<hbm>>
      tpu.wait_dma2 semaphore(%run_scoped3A : memref<!tpu.dma_semaphore, #tpu.memory_space<semaphore_mem>>) src(%dma_wait3A_51 : memref<120x64xf32, #tpu.memory_space<hbm>>) dst(%dma_wait3A_48 : memref<120x64xf32, #tpu.memory_space<vmem>>)
      tpu.yield
    }) : () -> ()
    %mul3A_22 = arith.constant 10112 : i32
    %mul3A_23 = arith.muli %arg0, %mul3A_22 : i32
    %add3A_24 = arith.addi %mul3A_23, %add3A_21 : i32
    "tpu.region"() ({
      %run_scoped3A = tpu.sem_alloc : memref<!tpu.dma_semaphore, #tpu.memory_space<semaphore_mem>>
      %dma_start3A = arith.constant 0 : i32
      %dma_start3A_30 = arith.constant 0 : i32
      %dma_start3A_31 = tpu.memref_slice %arg9[%dma_start3A, %dma_start3A_30] : memref<128x64xf32, #tpu.memory_space<vmem>> -> memref<120x64xf32, #tpu.memory_space<vmem>>
      %dma_start3A_32 = arith.constant 0 : i32
      %dma_start3A_33 = tpu.memref_slice %arg6[%add3A_24, %dma_start3A_32] : memref<182016x64xf32, #tpu.memory_space<hbm>> -> memref<120x64xf32, #tpu.memory_space<hbm>>
      %dma_start3A_34 = arith.constant 0 : i32
      %dma_start3A_35 = tpu.memref_slice %arg6[%add3A_24, %dma_start3A_34] : memref<182016x64xf32, #tpu.memory_space<hbm>> -> memref<120x64xf32, #tpu.memory_space<hbm>>
      %dma_start3A_36 = arith.constant 0 : i32
      %dma_start3A_37 = arith.constant 0 : i32
      %dma_start3A_38 = tpu.memref_slice %arg9[%dma_start3A_36, %dma_start3A_37] : memref<128x64xf32, #tpu.memory_space<vmem>> -> memref<120x64xf32, #tpu.memory_space<vmem>>
      tpu.enqueue_dma source(%dma_start3A_38 : memref<120x64xf32, #tpu.memory_space<vmem>>) target(%dma_start3A_35 : memref<120x64xf32, #tpu.memory_space<hbm>>) target_semaphore(%run_scoped3A : memref<!tpu.dma_semaphore, #tpu.memory_space<semaphore_mem>>)
      %dma_wait3A = arith.constant 0 : i32
      %dma_wait3A_39 = arith.constant 0 : i32
      %dma_wait3A_40 = tpu.memref_slice %arg9[%dma_wait3A, %dma_wait3A_39] : memref<128x64xf32, #tpu.memory_space<vmem>> -> memref<120x64xf32, #tpu.memory_space<vmem>>
      %dma_wait3A_41 = arith.constant 0 : i32
      %dma_wait3A_42 = tpu.memref_slice %arg6[%add3A_24, %dma_wait3A_41] : memref<182016x64xf32, #tpu.memory_space<hbm>> -> memref<120x64xf32, #tpu.memory_space<hbm>>
      %dma_wait3A_43 = arith.constant 0 : i32
      %dma_wait3A_44 = tpu.memref_slice %arg6[%add3A_24, %dma_wait3A_43] : memref<182016x64xf32, #tpu.memory_space<hbm>> -> memref<120x64xf32, #tpu.memory_space<hbm>>
      %dma_wait3A_45 = arith.constant 0 : i32
      %dma_wait3A_46 = arith.constant 0 : i32
      %dma_wait3A_47 = tpu.memref_slice %arg9[%dma_wait3A_45, %dma_wait3A_46] : memref<128x64xf32, #tpu.memory_space<vmem>> -> memref<120x64xf32, #tpu.memory_space<vmem>>
      tpu.wait_dma2 semaphore(%run_scoped3A : memref<!tpu.dma_semaphore, #tpu.memory_space<semaphore_mem>>) src(%dma_wait3A_47 : memref<120x64xf32, #tpu.memory_space<vmem>>) dst(%dma_wait3A_44 : memref<120x64xf32, #tpu.memory_space<hbm>>)
      tpu.yield
    }) : () -> ()
    "tpu.region"() ({
      %run_scoped3A = tpu.sem_alloc : memref<!tpu.dma_semaphore, #tpu.memory_space<semaphore_mem>>
      %dma_start3A = arith.constant 0 : i32
      %dma_start3A_30 = tpu.memref_slice %arg11[%mul3A_0, %dma_start3A] : memref<10112x64xf32, #tpu.memory_space<vmem_shared>> -> memref<632x64xf32, #tpu.memory_space<vmem_shared>>
      tpu.enqueue_dma source(%arg5 : memref<632x64xf32, #tpu.memory_space<hbm>>) target(%dma_start3A_30 : memref<632x64xf32, #tpu.memory_space<vmem_shared>>) target_semaphore(%run_scoped3A : memref<!tpu.dma_semaphore, #tpu.memory_space<semaphore_mem>>)
      %dma_wait3A = arith.constant 0 : i32
      %dma_wait3A_31 = tpu.memref_slice %arg11[%mul3A_0, %dma_wait3A] : memref<10112x64xf32, #tpu.memory_space<vmem_shared>> -> memref<632x64xf32, #tpu.memory_space<vmem_shared>>
      tpu.wait_dma2 semaphore(%run_scoped3A : memref<!tpu.dma_semaphore, #tpu.memory_space<semaphore_mem>>) src(%arg5 : memref<632x64xf32, #tpu.memory_space<hbm>>) dst(%dma_wait3A_31 : memref<632x64xf32, #tpu.memory_space<vmem_shared>>)
      tpu.yield
    }) : () -> ()
    %barrier3A = arith.constant 0 : index
    tpu.barrier barrier_id(%barrier3A)
    %scan3A = arith.constant 0 : i32
    %scan3A_25 = arith.constant 1 : i32
    %scan3A_26 = arith.constant 8 : i32
    %scan3A_27 = arith.addi %scan3A_25, %scan3A_26 : i32
    %scan3A_28 = arith.constant 1 : i32
    scf.for %scan3A_30 = %scan3A_25 to %scan3A_27 step %scan3A_28  : i32 {
      %sub3A = arith.constant 1 : i32
      %sub3A_31 = arith.subi %scan3A_30, %sub3A : i32
      "tpu.region"() ({
        %run_scoped3A = tpu.sem_alloc : memref<!tpu.dma_semaphore, #tpu.memory_space<semaphore_mem>>
        %dma_start3A_52 = arith.constant 0 : i32
        %dma_start3A_53 = arith.constant 0 : i32
        %dma_start3A_54 = tpu.memref_slice %arg3[%sub3A_31, %arg0, %arg1, %dma_start3A_52, %dma_start3A_53] : memref<8x2x16x158x128xi32, #tpu.memory_space<hbm>> -> memref<1x1x1x158x128xi32, #tpu.memory_space<hbm>>
        %dma_start3A_55 = tpu.memref_squeeze %dma_start3A_54 : memref<1x1x1x158x128xi32, #tpu.memory_space<hbm>> -> memref<158x128xi32, #tpu.memory_space<hbm>>
        %dma_start3A_56 = arith.constant 0 : i32
        %dma_start3A_57 = arith.constant 0 : i32
        %dma_start3A_58 = tpu.memref_slice %arg3[%sub3A_31, %arg0, %arg1, %dma_start3A_56, %dma_start3A_57] : memref<8x2x16x158x128xi32, #tpu.memory_space<hbm>> -> memref<1x1x1x158x128xi32, #tpu.memory_space<hbm>>
        %dma_start3A_59 = tpu.memref_squeeze %dma_start3A_58 : memref<1x1x1x158x128xi32, #tpu.memory_space<hbm>> -> memref<158x128xi32, #tpu.memory_space<hbm>>
        tpu.enqueue_dma source(%dma_start3A_59 : memref<158x128xi32, #tpu.memory_space<hbm>>) target(%arg7 : memref<158x128xi32, #tpu.memory_space<vmem>>) target_semaphore(%run_scoped3A : memref<!tpu.dma_semaphore, #tpu.memory_space<semaphore_mem>>)
        %dma_wait3A = arith.constant 0 : i32
        %dma_wait3A_60 = arith.constant 0 : i32
        %dma_wait3A_61 = tpu.memref_slice %arg3[%sub3A_31, %arg0, %arg1, %dma_wait3A, %dma_wait3A_60] : memref<8x2x16x158x128xi32, #tpu.memory_space<hbm>> -> memref<1x1x1x158x128xi32, #tpu.memory_space<hbm>>
        %dma_wait3A_62 = tpu.memref_squeeze %dma_wait3A_61 : memref<1x1x1x158x128xi32, #tpu.memory_space<hbm>> -> memref<158x128xi32, #tpu.memory_space<hbm>>
        %dma_wait3A_63 = arith.constant 0 : i32
        %dma_wait3A_64 = arith.constant 0 : i32
        %dma_wait3A_65 = tpu.memref_slice %arg3[%sub3A_31, %arg0, %arg1, %dma_wait3A_63, %dma_wait3A_64] : memref<8x2x16x158x128xi32, #tpu.memory_space<hbm>> -> memref<1x1x1x158x128xi32, #tpu.memory_space<hbm>>
        %dma_wait3A_66 = tpu.memref_squeeze %dma_wait3A_65 : memref<1x1x1x158x128xi32, #tpu.memory_space<hbm>> -> memref<158x128xi32, #tpu.memory_space<hbm>>
        tpu.wait_dma2 semaphore(%run_scoped3A : memref<!tpu.dma_semaphore, #tpu.memory_space<semaphore_mem>>) src(%dma_wait3A_66 : memref<158x128xi32, #tpu.memory_space<hbm>>) dst(%arg7 : memref<158x128xi32, #tpu.memory_space<vmem>>)
        tpu.yield
      }) : () -> ()
      %dma_start3A = arith.constant 0 : i32
      %dma_start3A_32 = arith.constant 0 : i32
      %dma_start3A_33 = tpu.memref_slice %arg7[%dma_start3A, %dma_start3A_32] : memref<158x128xi32, #tpu.memory_space<vmem>> -> memref<1x128xi32, #tpu.memory_space<vmem>>
      %dma_start3A_34 = tpu.memref_squeeze %dma_start3A_33 : memref<1x128xi32, #tpu.memory_space<vmem>> -> memref<128xi32, #tpu.memory_space<vmem>>
      %dma_start3A_35 = arith.constant 0 : i32
      %dma_start3A_36 = arith.constant 0 : i32
      %dma_start3A_37 = tpu.memref_slice %arg6[%dma_start3A_35, %dma_start3A_36] : memref<182016x64xf32, #tpu.memory_space<hbm>> -> memref<182016x64xf32, #tpu.memory_space<hbm>>
      tpu.enqueue_indirect_dma source(%dma_start3A_37 : memref<182016x64xf32, #tpu.memory_space<hbm>>) target(%arg9 : memref<128x64xf32, #tpu.memory_space<vmem>>) offsets(%dma_start3A_34 : memref<128xi32, #tpu.memory_space<vmem>>) semaphore(%arg12 : memref<!tpu.dma_semaphore, #tpu.memory_space<semaphore_mem>>)
      %scan3A_38 = arith.constant 0 : i32
      %scan3A_39 = arith.constant 0 : i32
      %scan3A_40 = arith.constant 79 : i32
      %scan3A_41 = arith.addi %scan3A_39, %scan3A_40 : i32
      %scan3A_42 = arith.constant 1 : i32
      scf.for %scan3A_52 = %scan3A_39 to %scan3A_41 step %scan3A_42  : i32 {
        %mul3A_53 = arith.constant 2 : i32
        %mul3A_54 = arith.muli %mul3A_53, %scan3A_52 : i32
        %add3A_55 = arith.constant 1 : i32
        %add3A_56 = arith.addi %mul3A_54, %add3A_55 : i32
        %dma_start3A_57 = arith.constant 0 : i32
        %dma_start3A_58 = tpu.memref_slice %arg7[%add3A_56, %dma_start3A_57] : memref<158x128xi32, #tpu.memory_space<vmem>> -> memref<1x128xi32, #tpu.memory_space<vmem>>
        %dma_start3A_59 = tpu.memref_squeeze %dma_start3A_58 : memref<1x128xi32, #tpu.memory_space<vmem>> -> memref<128xi32, #tpu.memory_space<vmem>>
        %dma_start3A_60 = arith.constant 0 : i32
        %dma_start3A_61 = arith.constant 0 : i32
        %dma_start3A_62 = tpu.memref_slice %arg6[%dma_start3A_60, %dma_start3A_61] : memref<182016x64xf32, #tpu.memory_space<hbm>> -> memref<182016x64xf32, #tpu.memory_space<hbm>>
        tpu.enqueue_indirect_dma source(%dma_start3A_62 : memref<182016x64xf32, #tpu.memory_space<hbm>>) target(%arg10 : memref<128x64xf32, #tpu.memory_space<vmem>>) offsets(%dma_start3A_59 : memref<128xi32, #tpu.memory_space<vmem>>) semaphore(%arg13 : memref<!tpu.dma_semaphore, #tpu.memory_space<semaphore_mem>>)
        %dma_wait3A = arith.constant 0 : i32
        %dma_wait3A_63 = tpu.memref_slice %arg7[%mul3A_54, %dma_wait3A] : memref<158x128xi32, #tpu.memory_space<vmem>> -> memref<1x128xi32, #tpu.memory_space<vmem>>
        %dma_wait3A_64 = tpu.memref_squeeze %dma_wait3A_63 : memref<1x128xi32, #tpu.memory_space<vmem>> -> memref<128xi32, #tpu.memory_space<vmem>>
        %dma_wait3A_65 = arith.constant 0 : i32
        %dma_wait3A_66 = arith.constant 0 : i32
        %dma_wait3A_67 = tpu.memref_slice %arg6[%dma_wait3A_65, %dma_wait3A_66] : memref<182016x64xf32, #tpu.memory_space<hbm>> -> memref<182016x64xf32, #tpu.memory_space<hbm>>
        tpu.wait_indirect_dma semaphore(%arg12 : memref<!tpu.dma_semaphore, #tpu.memory_space<semaphore_mem>>) src(%dma_wait3A_67 : memref<182016x64xf32, #tpu.memory_space<hbm>>) dst(%arg9 : memref<128x64xf32, #tpu.memory_space<vmem>>)
        "tpu.region"() ({
          %run_scoped3A = tpu.sem_alloc : memref<!tpu.dma_semaphore, #tpu.memory_space<semaphore_mem>>
          %dma_start3A_78 = arith.constant 0 : i32
          %dma_start3A_79 = tpu.memref_slice %arg8[%mul3A_54, %dma_start3A_78] : memref<158x128xi32, #tpu.memory_space<vmem>> -> memref<1x128xi32, #tpu.memory_space<vmem>>
          %dma_start3A_80 = tpu.memref_squeeze %dma_start3A_79 : memref<1x128xi32, #tpu.memory_space<vmem>> -> memref<128xi32, #tpu.memory_space<vmem>>
          %dma_start3A_81 = arith.constant 0 : i32
          %dma_start3A_82 = arith.constant 0 : i32
          %dma_start3A_83 = tpu.memref_slice %arg11[%dma_start3A_81, %dma_start3A_82] : memref<10112x64xf32, #tpu.memory_space<vmem_shared>> -> memref<10112x64xf32, #tpu.memory_space<vmem_shared>>
          tpu.enqueue_indirect_dma source(%arg9 : memref<128x64xf32, #tpu.memory_space<vmem>>) target(%dma_start3A_83 : memref<10112x64xf32, #tpu.memory_space<vmem_shared>>) offsets(%dma_start3A_80 : memref<128xi32, #tpu.memory_space<vmem>>) semaphore(%run_scoped3A : memref<!tpu.dma_semaphore, #tpu.memory_space<semaphore_mem>>) {add = true}
          %dma_wait3A_84 = arith.constant 0 : i32
          %dma_wait3A_85 = tpu.memref_slice %arg8[%mul3A_54, %dma_wait3A_84] : memref<158x128xi32, #tpu.memory_space<vmem>> -> memref<1x128xi32, #tpu.memory_space<vmem>>
          %dma_wait3A_86 = tpu.memref_squeeze %dma_wait3A_85 : memref<1x128xi32, #tpu.memory_space<vmem>> -> memref<128xi32, #tpu.memory_space<vmem>>
          %dma_wait3A_87 = arith.constant 0 : i32
          %dma_wait3A_88 = arith.constant 0 : i32
          %dma_wait3A_89 = tpu.memref_slice %arg11[%dma_wait3A_87, %dma_wait3A_88] : memref<10112x64xf32, #tpu.memory_space<vmem_shared>> -> memref<10112x64xf32, #tpu.memory_space<vmem_shared>>
          tpu.wait_indirect_dma semaphore(%run_scoped3A : memref<!tpu.dma_semaphore, #tpu.memory_space<semaphore_mem>>) src(%arg9 : memref<128x64xf32, #tpu.memory_space<vmem>>) dst(%dma_wait3A_89 : memref<10112x64xf32, #tpu.memory_space<vmem_shared>>)
          tpu.yield
        }) : () -> ()
        %add3A_68 = arith.constant 1 : i32
        %add3A_69 = arith.addi %add3A_56, %add3A_68 : i32
        %lt3A = arith.constant 158 : i32
        %lt3A_70 = arith.cmpi slt, %add3A_69, %lt3A : i32
        %convert_element_type3A = arith.extui %lt3A_70 : i1 to i32
        %cond3A = arith.constant 0 : i32
        %cond3A_71 = arith.cmpi ne, %convert_element_type3A, %cond3A : i32
        scf.if %cond3A_71 {
          %add3A_78 = arith.constant 1 : i32
          %add3A_79 = arith.addi %add3A_56, %add3A_78 : i32
          %dma_start3A_80 = arith.constant 0 : i32
          %dma_start3A_81 = tpu.memref_slice %arg7[%add3A_79, %dma_start3A_80] : memref<158x128xi32, #tpu.memory_space<vmem>> -> memref<1x128xi32, #tpu.memory_space<vmem>>
          %dma_start3A_82 = tpu.memref_squeeze %dma_start3A_81 : memref<1x128xi32, #tpu.memory_space<vmem>> -> memref<128xi32, #tpu.memory_space<vmem>>
          %dma_start3A_83 = arith.constant 0 : i32
          %dma_start3A_84 = arith.constant 0 : i32
          %dma_start3A_85 = tpu.memref_slice %arg6[%dma_start3A_83, %dma_start3A_84] : memref<182016x64xf32, #tpu.memory_space<hbm>> -> memref<182016x64xf32, #tpu.memory_space<hbm>>
          tpu.enqueue_indirect_dma source(%dma_start3A_85 : memref<182016x64xf32, #tpu.memory_space<hbm>>) target(%arg9 : memref<128x64xf32, #tpu.memory_space<vmem>>) offsets(%dma_start3A_82 : memref<128xi32, #tpu.memory_space<vmem>>) semaphore(%arg12 : memref<!tpu.dma_semaphore, #tpu.memory_space<semaphore_mem>>)
        } else {
        }
        %dma_wait3A_72 = arith.constant 0 : i32
        %dma_wait3A_73 = tpu.memref_slice %arg7[%add3A_56, %dma_wait3A_72] : memref<158x128xi32, #tpu.memory_space<vmem>> -> memref<1x128xi32, #tpu.memory_space<vmem>>
        %dma_wait3A_74 = tpu.memref_squeeze %dma_wait3A_73 : memref<1x128xi32, #tpu.memory_space<vmem>> -> memref<128xi32, #tpu.memory_space<vmem>>
        %dma_wait3A_75 = arith.constant 0 : i32
        %dma_wait3A_76 = arith.constant 0 : i32
        %dma_wait3A_77 = tpu.memref_slice %arg6[%dma_wait3A_75, %dma_wait3A_76] : memref<182016x64xf32, #tpu.memory_space<hbm>> -> memref<182016x64xf32, #tpu.memory_space<hbm>>
        tpu.wait_indirect_dma semaphore(%arg13 : memref<!tpu.dma_semaphore, #tpu.memory_space<semaphore_mem>>) src(%dma_wait3A_77 : memref<182016x64xf32, #tpu.memory_space<hbm>>) dst(%arg10 : memref<128x64xf32, #tpu.memory_space<vmem>>)
        "tpu.region"() ({
          %run_scoped3A = tpu.sem_alloc : memref<!tpu.dma_semaphore, #tpu.memory_space<semaphore_mem>>
          %dma_start3A_78 = arith.constant 0 : i32
          %dma_start3A_79 = tpu.memref_slice %arg8[%add3A_56, %dma_start3A_78] : memref<158x128xi32, #tpu.memory_space<vmem>> -> memref<1x128xi32, #tpu.memory_space<vmem>>
          %dma_start3A_80 = tpu.memref_squeeze %dma_start3A_79 : memref<1x128xi32, #tpu.memory_space<vmem>> -> memref<128xi32, #tpu.memory_space<vmem>>
          %dma_start3A_81 = arith.constant 0 : i32
          %dma_start3A_82 = arith.constant 0 : i32
          %dma_start3A_83 = tpu.memref_slice %arg11[%dma_start3A_81, %dma_start3A_82] : memref<10112x64xf32, #tpu.memory_space<vmem_shared>> -> memref<10112x64xf32, #tpu.memory_space<vmem_shared>>
          tpu.enqueue_indirect_dma source(%arg10 : memref<128x64xf32, #tpu.memory_space<vmem>>) target(%dma_start3A_83 : memref<10112x64xf32, #tpu.memory_space<vmem_shared>>) offsets(%dma_start3A_80 : memref<128xi32, #tpu.memory_space<vmem>>) semaphore(%run_scoped3A : memref<!tpu.dma_semaphore, #tpu.memory_space<semaphore_mem>>) {add = true}
          %dma_wait3A_84 = arith.constant 0 : i32
          %dma_wait3A_85 = tpu.memref_slice %arg8[%add3A_56, %dma_wait3A_84] : memref<158x128xi32, #tpu.memory_space<vmem>> -> memref<1x128xi32, #tpu.memory_space<vmem>>
          %dma_wait3A_86 = tpu.memref_squeeze %dma_wait3A_85 : memref<1x128xi32, #tpu.memory_space<vmem>> -> memref<128xi32, #tpu.memory_space<vmem>>
          %dma_wait3A_87 = arith.constant 0 : i32
          %dma_wait3A_88 = arith.constant 0 : i32
          %dma_wait3A_89 = tpu.memref_slice %arg11[%dma_wait3A_87, %dma_wait3A_88] : memref<10112x64xf32, #tpu.memory_space<vmem_shared>> -> memref<10112x64xf32, #tpu.memory_space<vmem_shared>>
          tpu.wait_indirect_dma semaphore(%run_scoped3A : memref<!tpu.dma_semaphore, #tpu.memory_space<semaphore_mem>>) src(%arg10 : memref<128x64xf32, #tpu.memory_space<vmem>>) dst(%dma_wait3A_89 : memref<10112x64xf32, #tpu.memory_space<vmem_shared>>)
          tpu.yield
        }) : () -> ()
      }
      %scan3A_43 = arith.constant 79 : i32
      %barrier3A_44 = arith.constant 0 : index
      tpu.barrier barrier_id(%barrier3A_44)
      %mul3A_45 = arith.constant 2 : i32
      %mul3A_46 = arith.muli %scan3A_30, %mul3A_45 : i32
      %add3A_47 = arith.addi %mul3A_46, %arg0 : i32
      %mul3A_48 = arith.constant 10112 : i32
      %mul3A_49 = arith.muli %add3A_47, %mul3A_48 : i32
      %add3A_50 = arith.addi %mul3A_49, %mul3A_0 : i32
      "tpu.region"() ({
        %run_scoped3A = tpu.sem_alloc : memref<!tpu.dma_semaphore, #tpu.memory_space<semaphore_mem>>
        %dma_start3A_52 = arith.constant 0 : i32
        %dma_start3A_53 = tpu.memref_slice %arg6[%add3A_50, %dma_start3A_52] : memref<182016x64xf32, #tpu.memory_space<hbm>> -> memref<632x64xf32, #tpu.memory_space<hbm>>
        %dma_start3A_54 = arith.constant 0 : i32
        %dma_start3A_55 = tpu.memref_slice %arg11[%mul3A_0, %dma_start3A_54] : memref<10112x64xf32, #tpu.memory_space<vmem_shared>> -> memref<632x64xf32, #tpu.memory_space<vmem_shared>>
        tpu.enqueue_dma source(%dma_start3A_55 : memref<632x64xf32, #tpu.memory_space<vmem_shared>>) target(%dma_start3A_53 : memref<632x64xf32, #tpu.memory_space<hbm>>) target_semaphore(%run_scoped3A : memref<!tpu.dma_semaphore, #tpu.memory_space<semaphore_mem>>)
        %dma_wait3A = arith.constant 0 : i32
        %dma_wait3A_56 = tpu.memref_slice %arg6[%add3A_50, %dma_wait3A] : memref<182016x64xf32, #tpu.memory_space<hbm>> -> memref<632x64xf32, #tpu.memory_space<hbm>>
        %dma_wait3A_57 = arith.constant 0 : i32
        %dma_wait3A_58 = tpu.memref_slice %arg11[%mul3A_0, %dma_wait3A_57] : memref<10112x64xf32, #tpu.memory_space<vmem_shared>> -> memref<632x64xf32, #tpu.memory_space<vmem_shared>>
        tpu.wait_dma2 semaphore(%run_scoped3A : memref<!tpu.dma_semaphore, #tpu.memory_space<semaphore_mem>>) src(%dma_wait3A_58 : memref<632x64xf32, #tpu.memory_space<vmem_shared>>) dst(%dma_wait3A_56 : memref<632x64xf32, #tpu.memory_space<hbm>>)
        tpu.yield
      }) : () -> ()
      "tpu.region"() ({
        %run_scoped3A = tpu.sem_alloc : memref<!tpu.dma_semaphore, #tpu.memory_space<semaphore_mem>>
        %dma_start3A_52 = arith.constant 0 : i32
        %dma_start3A_53 = tpu.memref_slice %arg11[%mul3A_0, %dma_start3A_52] : memref<10112x64xf32, #tpu.memory_space<vmem_shared>> -> memref<632x64xf32, #tpu.memory_space<vmem_shared>>
        tpu.enqueue_dma source(%arg5 : memref<632x64xf32, #tpu.memory_space<hbm>>) target(%dma_start3A_53 : memref<632x64xf32, #tpu.memory_space<vmem_shared>>) target_semaphore(%run_scoped3A : memref<!tpu.dma_semaphore, #tpu.memory_space<semaphore_mem>>)
        %dma_wait3A = arith.constant 0 : i32
        %dma_wait3A_54 = tpu.memref_slice %arg11[%mul3A_0, %dma_wait3A] : memref<10112x64xf32, #tpu.memory_space<vmem_shared>> -> memref<632x64xf32, #tpu.memory_space<vmem_shared>>
        tpu.wait_dma2 semaphore(%run_scoped3A : memref<!tpu.dma_semaphore, #tpu.memory_space<semaphore_mem>>) src(%arg5 : memref<632x64xf32, #tpu.memory_space<hbm>>) dst(%dma_wait3A_54 : memref<632x64xf32, #tpu.memory_space<vmem_shared>>)
        tpu.yield
      }) : () -> ()
      %barrier3A_51 = arith.constant 0 : index
      tpu.barrier barrier_id(%barrier3A_51)
    }
    %scan3A_29 = arith.constant 8 : i32
    return
  }
}

module attributes {stable_mosaic.version = 14 : i64} {
  func.func @body(%arg0: i32, %arg1: memref<1x9xf32, #tpu.memory_space<vmem>>, %arg2: memref<9x2x1000x64xf32, #tpu.memory_space<vmem>>, %arg3: memref<1000x128xf32, #tpu.memory_space<vmem>>) attributes {dimension_semantics = [#tpu.dimension_semantics<arbitrary>], iteration_bounds = array<i64: 10>, scalar_prefetch = 0 : i64, scratch_operands = 0 : i64, tpu.core_type = #tpu.core_type<tc>, window_params = [{pipeline_mode = #tpu.pipeline_mode<synchronous>, transform_indices = @transform_0, window_bounds = array<i64: 1, 9>}, {transform_indices = @transform_1, window_bounds = array<i64: 9, 2, 1000, 64>}, {transform_indices = @transform_2, window_bounds = array<i64: 1000, 128>}]} {
    %get3A = arith.constant 0 : index
    %get3A_0 = arith.constant 0 : index
    %get3A_1 = vector.load %arg1[%get3A, %get3A_0] : memref<1x9xf32, #tpu.memory_space<vmem>>, vector<1x9xf32>
    %reduce_max3A = arith.constant dense<0xFF800000> : vector<1xf32>
    %reduce_max3A_2 = vector.multi_reduction <maximumf>, %get3A_1, %reduce_max3A [1] : vector<1x9xf32> to vector<1xf32>
    %broadcast_in_dim3A = vector.shape_cast %reduce_max3A_2 : vector<1xf32> to vector<1x1xf32>
    %sub3A = vector.broadcast %broadcast_in_dim3A : vector<1x1xf32> to vector<1x9xf32>
    %sub3A_3 = arith.subf %get3A_1, %sub3A : vector<1x9xf32>
    %exp3A = math.exp %sub3A_3 : vector<1x9xf32>
    %reduce_sum3A = arith.constant dense<0.000000e+00> : vector<1xf32>
    %reduce_sum3A_4 = vector.multi_reduction <add>, %exp3A, %reduce_sum3A [1] : vector<1x9xf32> to vector<1xf32>
    %broadcast_in_dim3A_5 = vector.shape_cast %reduce_sum3A_4 : vector<1xf32> to vector<1x1xf32>
    %div3A = vector.broadcast %broadcast_in_dim3A_5 : vector<1x1xf32> to vector<1x9xf32>
    %div3A_6 = arith.divf %exp3A, %div3A : vector<1x9xf32>
    %broadcast_in_dim3A_7 = arith.constant 0.000000e+00 : f32
    %broadcast_in_dim3A_8 = vector.broadcast %broadcast_in_dim3A_7 : f32 to vector<1000x64xf32>
    %slice3A = vector.extract_strided_slice %div3A_6 {offsets = [0, 0], sizes = [1, 1], strides = [1, 1]} : vector<1x9xf32> to vector<1x1xf32>
    %get3A_9 = arith.constant 0 : index
    %get3A_10 = arith.constant 0 : index
    %get3A_11 = arith.constant 0 : index
    %get3A_12 = arith.constant 0 : index
    %get3A_13 = vector.load %arg2[%get3A_9, %get3A_10, %get3A_11, %get3A_12] : memref<9x2x1000x64xf32, #tpu.memory_space<vmem>>, vector<1x1x1000x64xf32>
    %get3A_14 = vector.shape_cast %get3A_13 : vector<1x1x1000x64xf32> to vector<1000x64xf32>
    %mul3A = vector.broadcast %slice3A : vector<1x1xf32> to vector<1000x64xf32>
    %mul3A_15 = arith.mulf %mul3A, %get3A_14 : vector<1000x64xf32>
    %add3A = arith.addf %broadcast_in_dim3A_8, %mul3A_15 : vector<1000x64xf32>
    %slice3A_16 = vector.extract_strided_slice %div3A_6 {offsets = [0, 1], sizes = [1, 1], strides = [1, 1]} : vector<1x9xf32> to vector<1x1xf32>
    %get3A_17 = arith.constant 1 : index
    %get3A_18 = arith.constant 0 : index
    %get3A_19 = arith.constant 0 : index
    %get3A_20 = arith.constant 0 : index
    %get3A_21 = vector.load %arg2[%get3A_17, %get3A_18, %get3A_19, %get3A_20] : memref<9x2x1000x64xf32, #tpu.memory_space<vmem>>, vector<1x1x1000x64xf32>
    %get3A_22 = vector.shape_cast %get3A_21 : vector<1x1x1000x64xf32> to vector<1000x64xf32>
    %mul3A_23 = vector.broadcast %slice3A_16 : vector<1x1xf32> to vector<1000x64xf32>
    %mul3A_24 = arith.mulf %mul3A_23, %get3A_22 : vector<1000x64xf32>
    %add3A_25 = arith.addf %add3A, %mul3A_24 : vector<1000x64xf32>
    %slice3A_26 = vector.extract_strided_slice %div3A_6 {offsets = [0, 2], sizes = [1, 1], strides = [1, 1]} : vector<1x9xf32> to vector<1x1xf32>
    %get3A_27 = arith.constant 2 : index
    %get3A_28 = arith.constant 0 : index
    %get3A_29 = arith.constant 0 : index
    %get3A_30 = arith.constant 0 : index
    %get3A_31 = vector.load %arg2[%get3A_27, %get3A_28, %get3A_29, %get3A_30] : memref<9x2x1000x64xf32, #tpu.memory_space<vmem>>, vector<1x1x1000x64xf32>
    %get3A_32 = vector.shape_cast %get3A_31 : vector<1x1x1000x64xf32> to vector<1000x64xf32>
    %mul3A_33 = vector.broadcast %slice3A_26 : vector<1x1xf32> to vector<1000x64xf32>
    %mul3A_34 = arith.mulf %mul3A_33, %get3A_32 : vector<1000x64xf32>
    %add3A_35 = arith.addf %add3A_25, %mul3A_34 : vector<1000x64xf32>
    %slice3A_36 = vector.extract_strided_slice %div3A_6 {offsets = [0, 3], sizes = [1, 1], strides = [1, 1]} : vector<1x9xf32> to vector<1x1xf32>
    %get3A_37 = arith.constant 3 : index
    %get3A_38 = arith.constant 0 : index
    %get3A_39 = arith.constant 0 : index
    %get3A_40 = arith.constant 0 : index
    %get3A_41 = vector.load %arg2[%get3A_37, %get3A_38, %get3A_39, %get3A_40] : memref<9x2x1000x64xf32, #tpu.memory_space<vmem>>, vector<1x1x1000x64xf32>
    %get3A_42 = vector.shape_cast %get3A_41 : vector<1x1x1000x64xf32> to vector<1000x64xf32>
    %mul3A_43 = vector.broadcast %slice3A_36 : vector<1x1xf32> to vector<1000x64xf32>
    %mul3A_44 = arith.mulf %mul3A_43, %get3A_42 : vector<1000x64xf32>
    %add3A_45 = arith.addf %add3A_35, %mul3A_44 : vector<1000x64xf32>
    %slice3A_46 = vector.extract_strided_slice %div3A_6 {offsets = [0, 4], sizes = [1, 1], strides = [1, 1]} : vector<1x9xf32> to vector<1x1xf32>
    %get3A_47 = arith.constant 4 : index
    %get3A_48 = arith.constant 0 : index
    %get3A_49 = arith.constant 0 : index
    %get3A_50 = arith.constant 0 : index
    %get3A_51 = vector.load %arg2[%get3A_47, %get3A_48, %get3A_49, %get3A_50] : memref<9x2x1000x64xf32, #tpu.memory_space<vmem>>, vector<1x1x1000x64xf32>
    %get3A_52 = vector.shape_cast %get3A_51 : vector<1x1x1000x64xf32> to vector<1000x64xf32>
    %mul3A_53 = vector.broadcast %slice3A_46 : vector<1x1xf32> to vector<1000x64xf32>
    %mul3A_54 = arith.mulf %mul3A_53, %get3A_52 : vector<1000x64xf32>
    %add3A_55 = arith.addf %add3A_45, %mul3A_54 : vector<1000x64xf32>
    %slice3A_56 = vector.extract_strided_slice %div3A_6 {offsets = [0, 5], sizes = [1, 1], strides = [1, 1]} : vector<1x9xf32> to vector<1x1xf32>
    %get3A_57 = arith.constant 5 : index
    %get3A_58 = arith.constant 0 : index
    %get3A_59 = arith.constant 0 : index
    %get3A_60 = arith.constant 0 : index
    %get3A_61 = vector.load %arg2[%get3A_57, %get3A_58, %get3A_59, %get3A_60] : memref<9x2x1000x64xf32, #tpu.memory_space<vmem>>, vector<1x1x1000x64xf32>
    %get3A_62 = vector.shape_cast %get3A_61 : vector<1x1x1000x64xf32> to vector<1000x64xf32>
    %mul3A_63 = vector.broadcast %slice3A_56 : vector<1x1xf32> to vector<1000x64xf32>
    %mul3A_64 = arith.mulf %mul3A_63, %get3A_62 : vector<1000x64xf32>
    %add3A_65 = arith.addf %add3A_55, %mul3A_64 : vector<1000x64xf32>
    %slice3A_66 = vector.extract_strided_slice %div3A_6 {offsets = [0, 6], sizes = [1, 1], strides = [1, 1]} : vector<1x9xf32> to vector<1x1xf32>
    %get3A_67 = arith.constant 6 : index
    %get3A_68 = arith.constant 0 : index
    %get3A_69 = arith.constant 0 : index
    %get3A_70 = arith.constant 0 : index
    %get3A_71 = vector.load %arg2[%get3A_67, %get3A_68, %get3A_69, %get3A_70] : memref<9x2x1000x64xf32, #tpu.memory_space<vmem>>, vector<1x1x1000x64xf32>
    %get3A_72 = vector.shape_cast %get3A_71 : vector<1x1x1000x64xf32> to vector<1000x64xf32>
    %mul3A_73 = vector.broadcast %slice3A_66 : vector<1x1xf32> to vector<1000x64xf32>
    %mul3A_74 = arith.mulf %mul3A_73, %get3A_72 : vector<1000x64xf32>
    %add3A_75 = arith.addf %add3A_65, %mul3A_74 : vector<1000x64xf32>
    %slice3A_76 = vector.extract_strided_slice %div3A_6 {offsets = [0, 7], sizes = [1, 1], strides = [1, 1]} : vector<1x9xf32> to vector<1x1xf32>
    %get3A_77 = arith.constant 7 : index
    %get3A_78 = arith.constant 0 : index
    %get3A_79 = arith.constant 0 : index
    %get3A_80 = arith.constant 0 : index
    %get3A_81 = vector.load %arg2[%get3A_77, %get3A_78, %get3A_79, %get3A_80] : memref<9x2x1000x64xf32, #tpu.memory_space<vmem>>, vector<1x1x1000x64xf32>
    %get3A_82 = vector.shape_cast %get3A_81 : vector<1x1x1000x64xf32> to vector<1000x64xf32>
    %mul3A_83 = vector.broadcast %slice3A_76 : vector<1x1xf32> to vector<1000x64xf32>
    %mul3A_84 = arith.mulf %mul3A_83, %get3A_82 : vector<1000x64xf32>
    %add3A_85 = arith.addf %add3A_75, %mul3A_84 : vector<1000x64xf32>
    %slice3A_86 = vector.extract_strided_slice %div3A_6 {offsets = [0, 8], sizes = [1, 1], strides = [1, 1]} : vector<1x9xf32> to vector<1x1xf32>
    %get3A_87 = arith.constant 8 : index
    %get3A_88 = arith.constant 0 : index
    %get3A_89 = arith.constant 0 : index
    %get3A_90 = arith.constant 0 : index
    %get3A_91 = vector.load %arg2[%get3A_87, %get3A_88, %get3A_89, %get3A_90] : memref<9x2x1000x64xf32, #tpu.memory_space<vmem>>, vector<1x1x1000x64xf32>
    %get3A_92 = vector.shape_cast %get3A_91 : vector<1x1x1000x64xf32> to vector<1000x64xf32>
    %mul3A_93 = vector.broadcast %slice3A_86 : vector<1x1xf32> to vector<1000x64xf32>
    %mul3A_94 = arith.mulf %mul3A_93, %get3A_92 : vector<1000x64xf32>
    %add3A_95 = arith.addf %add3A_85, %mul3A_94 : vector<1000x64xf32>
    %broadcast_in_dim3A_96 = arith.constant 0.000000e+00 : f32
    %broadcast_in_dim3A_97 = vector.broadcast %broadcast_in_dim3A_96 : f32 to vector<1000x64xf32>
    %slice3A_98 = vector.extract_strided_slice %div3A_6 {offsets = [0, 0], sizes = [1, 1], strides = [1, 1]} : vector<1x9xf32> to vector<1x1xf32>
    %get3A_99 = arith.constant 0 : index
    %get3A_100 = arith.constant 1 : index
    %get3A_101 = arith.constant 0 : index
    %get3A_102 = arith.constant 0 : index
    %get3A_103 = vector.load %arg2[%get3A_99, %get3A_100, %get3A_101, %get3A_102] : memref<9x2x1000x64xf32, #tpu.memory_space<vmem>>, vector<1x1x1000x64xf32>
    %get3A_104 = vector.shape_cast %get3A_103 : vector<1x1x1000x64xf32> to vector<1000x64xf32>
    %mul3A_105 = vector.broadcast %slice3A_98 : vector<1x1xf32> to vector<1000x64xf32>
    %mul3A_106 = arith.mulf %mul3A_105, %get3A_104 : vector<1000x64xf32>
    %add3A_107 = arith.addf %broadcast_in_dim3A_97, %mul3A_106 : vector<1000x64xf32>
    %slice3A_108 = vector.extract_strided_slice %div3A_6 {offsets = [0, 1], sizes = [1, 1], strides = [1, 1]} : vector<1x9xf32> to vector<1x1xf32>
    %get3A_109 = arith.constant 1 : index
    %get3A_110 = arith.constant 1 : index
    %get3A_111 = arith.constant 0 : index
    %get3A_112 = arith.constant 0 : index
    %get3A_113 = vector.load %arg2[%get3A_109, %get3A_110, %get3A_111, %get3A_112] : memref<9x2x1000x64xf32, #tpu.memory_space<vmem>>, vector<1x1x1000x64xf32>
    %get3A_114 = vector.shape_cast %get3A_113 : vector<1x1x1000x64xf32> to vector<1000x64xf32>
    %mul3A_115 = vector.broadcast %slice3A_108 : vector<1x1xf32> to vector<1000x64xf32>
    %mul3A_116 = arith.mulf %mul3A_115, %get3A_114 : vector<1000x64xf32>
    %add3A_117 = arith.addf %add3A_107, %mul3A_116 : vector<1000x64xf32>
    %slice3A_118 = vector.extract_strided_slice %div3A_6 {offsets = [0, 2], sizes = [1, 1], strides = [1, 1]} : vector<1x9xf32> to vector<1x1xf32>
    %get3A_119 = arith.constant 2 : index
    %get3A_120 = arith.constant 1 : index
    %get3A_121 = arith.constant 0 : index
    %get3A_122 = arith.constant 0 : index
    %get3A_123 = vector.load %arg2[%get3A_119, %get3A_120, %get3A_121, %get3A_122] : memref<9x2x1000x64xf32, #tpu.memory_space<vmem>>, vector<1x1x1000x64xf32>
    %get3A_124 = vector.shape_cast %get3A_123 : vector<1x1x1000x64xf32> to vector<1000x64xf32>
    %mul3A_125 = vector.broadcast %slice3A_118 : vector<1x1xf32> to vector<1000x64xf32>
    %mul3A_126 = arith.mulf %mul3A_125, %get3A_124 : vector<1000x64xf32>
    %add3A_127 = arith.addf %add3A_117, %mul3A_126 : vector<1000x64xf32>
    %slice3A_128 = vector.extract_strided_slice %div3A_6 {offsets = [0, 3], sizes = [1, 1], strides = [1, 1]} : vector<1x9xf32> to vector<1x1xf32>
    %get3A_129 = arith.constant 3 : index
    %get3A_130 = arith.constant 1 : index
    %get3A_131 = arith.constant 0 : index
    %get3A_132 = arith.constant 0 : index
    %get3A_133 = vector.load %arg2[%get3A_129, %get3A_130, %get3A_131, %get3A_132] : memref<9x2x1000x64xf32, #tpu.memory_space<vmem>>, vector<1x1x1000x64xf32>
    %get3A_134 = vector.shape_cast %get3A_133 : vector<1x1x1000x64xf32> to vector<1000x64xf32>
    %mul3A_135 = vector.broadcast %slice3A_128 : vector<1x1xf32> to vector<1000x64xf32>
    %mul3A_136 = arith.mulf %mul3A_135, %get3A_134 : vector<1000x64xf32>
    %add3A_137 = arith.addf %add3A_127, %mul3A_136 : vector<1000x64xf32>
    %slice3A_138 = vector.extract_strided_slice %div3A_6 {offsets = [0, 4], sizes = [1, 1], strides = [1, 1]} : vector<1x9xf32> to vector<1x1xf32>
    %get3A_139 = arith.constant 4 : index
    %get3A_140 = arith.constant 1 : index
    %get3A_141 = arith.constant 0 : index
    %get3A_142 = arith.constant 0 : index
    %get3A_143 = vector.load %arg2[%get3A_139, %get3A_140, %get3A_141, %get3A_142] : memref<9x2x1000x64xf32, #tpu.memory_space<vmem>>, vector<1x1x1000x64xf32>
    %get3A_144 = vector.shape_cast %get3A_143 : vector<1x1x1000x64xf32> to vector<1000x64xf32>
    %mul3A_145 = vector.broadcast %slice3A_138 : vector<1x1xf32> to vector<1000x64xf32>
    %mul3A_146 = arith.mulf %mul3A_145, %get3A_144 : vector<1000x64xf32>
    %add3A_147 = arith.addf %add3A_137, %mul3A_146 : vector<1000x64xf32>
    %slice3A_148 = vector.extract_strided_slice %div3A_6 {offsets = [0, 5], sizes = [1, 1], strides = [1, 1]} : vector<1x9xf32> to vector<1x1xf32>
    %get3A_149 = arith.constant 5 : index
    %get3A_150 = arith.constant 1 : index
    %get3A_151 = arith.constant 0 : index
    %get3A_152 = arith.constant 0 : index
    %get3A_153 = vector.load %arg2[%get3A_149, %get3A_150, %get3A_151, %get3A_152] : memref<9x2x1000x64xf32, #tpu.memory_space<vmem>>, vector<1x1x1000x64xf32>
    %get3A_154 = vector.shape_cast %get3A_153 : vector<1x1x1000x64xf32> to vector<1000x64xf32>
    %mul3A_155 = vector.broadcast %slice3A_148 : vector<1x1xf32> to vector<1000x64xf32>
    %mul3A_156 = arith.mulf %mul3A_155, %get3A_154 : vector<1000x64xf32>
    %add3A_157 = arith.addf %add3A_147, %mul3A_156 : vector<1000x64xf32>
    %slice3A_158 = vector.extract_strided_slice %div3A_6 {offsets = [0, 6], sizes = [1, 1], strides = [1, 1]} : vector<1x9xf32> to vector<1x1xf32>
    %get3A_159 = arith.constant 6 : index
    %get3A_160 = arith.constant 1 : index
    %get3A_161 = arith.constant 0 : index
    %get3A_162 = arith.constant 0 : index
    %get3A_163 = vector.load %arg2[%get3A_159, %get3A_160, %get3A_161, %get3A_162] : memref<9x2x1000x64xf32, #tpu.memory_space<vmem>>, vector<1x1x1000x64xf32>
    %get3A_164 = vector.shape_cast %get3A_163 : vector<1x1x1000x64xf32> to vector<1000x64xf32>
    %mul3A_165 = vector.broadcast %slice3A_158 : vector<1x1xf32> to vector<1000x64xf32>
    %mul3A_166 = arith.mulf %mul3A_165, %get3A_164 : vector<1000x64xf32>
    %add3A_167 = arith.addf %add3A_157, %mul3A_166 : vector<1000x64xf32>
    %slice3A_168 = vector.extract_strided_slice %div3A_6 {offsets = [0, 7], sizes = [1, 1], strides = [1, 1]} : vector<1x9xf32> to vector<1x1xf32>
    %get3A_169 = arith.constant 7 : index
    %get3A_170 = arith.constant 1 : index
    %get3A_171 = arith.constant 0 : index
    %get3A_172 = arith.constant 0 : index
    %get3A_173 = vector.load %arg2[%get3A_169, %get3A_170, %get3A_171, %get3A_172] : memref<9x2x1000x64xf32, #tpu.memory_space<vmem>>, vector<1x1x1000x64xf32>
    %get3A_174 = vector.shape_cast %get3A_173 : vector<1x1x1000x64xf32> to vector<1000x64xf32>
    %mul3A_175 = vector.broadcast %slice3A_168 : vector<1x1xf32> to vector<1000x64xf32>
    %mul3A_176 = arith.mulf %mul3A_175, %get3A_174 : vector<1000x64xf32>
    %add3A_177 = arith.addf %add3A_167, %mul3A_176 : vector<1000x64xf32>
    %slice3A_178 = vector.extract_strided_slice %div3A_6 {offsets = [0, 8], sizes = [1, 1], strides = [1, 1]} : vector<1x9xf32> to vector<1x1xf32>
    %get3A_179 = arith.constant 8 : index
    %get3A_180 = arith.constant 1 : index
    %get3A_181 = arith.constant 0 : index
    %get3A_182 = arith.constant 0 : index
    %get3A_183 = vector.load %arg2[%get3A_179, %get3A_180, %get3A_181, %get3A_182] : memref<9x2x1000x64xf32, #tpu.memory_space<vmem>>, vector<1x1x1000x64xf32>
    %get3A_184 = vector.shape_cast %get3A_183 : vector<1x1x1000x64xf32> to vector<1000x64xf32>
    %mul3A_185 = vector.broadcast %slice3A_178 : vector<1x1xf32> to vector<1000x64xf32>
    %mul3A_186 = arith.mulf %mul3A_185, %get3A_184 : vector<1000x64xf32>
    %add3A_187 = arith.addf %add3A_177, %mul3A_186 : vector<1000x64xf32>
    %concatenate3A = tpu.concatenate %add3A_95, %add3A_187 in 1 : vector<1000x64xf32>, vector<1000x64xf32> -> vector<1000x128xf32>
    %swap3A = arith.constant 0 : index
    %swap3A_188 = arith.constant 0 : index
    %swap3A_189 = vector.load %arg3[%swap3A, %swap3A_188] : memref<1000x128xf32, #tpu.memory_space<vmem>>, vector<1000x128xf32>
    tpu.vector_store %arg3[%swap3A, %swap3A_188], %concatenate3A {strides = array<i32>} : memref<1000x128xf32, #tpu.memory_space<vmem>>, vector<1000x128xf32>,
    return
  }
  func.func @transform_0(%arg0: i32) -> (i32, i32) {
    %c0_i32 = arith.constant 0 : i32
    %c0_i32_0 = arith.constant 0 : i32
    %c0_i32_1 = arith.constant 0 : i32
    return %c0_i32, %c0_i32_0 : i32, i32
  }
  func.func @transform_1(%arg0: i32) -> (i32, i32, i32, i32) {
    %c0_i32 = arith.constant 0 : i32
    %c0_i32_0 = arith.constant 0 : i32
    %c0_i32_1 = arith.constant 0 : i32
    %c0_i32_2 = arith.constant 0 : i32
    return %c0_i32, %c0_i32_0, %arg0, %c0_i32_1 : i32, i32, i32, i32
  }
  func.func @transform_2(%arg0: i32) -> (i32, i32) {
    %c0_i32 = arith.constant 0 : i32
    %c0_i32_0 = arith.constant 0 : i32
    return %arg0, %c0_i32 : i32, i32
  }
}

</mosaic_0001>

<sc_bundles>
// kernel: kernel.4.cloned.1.call-start
scs
__scs_entry_jumppad:
0x0: {  	(pc) =	sbr.rel $0x88, $3  }
0x1: {  	(tag) =	ssettag $0x0;
	lr =	simm.s32 $0x1  }
0x2: {  	[smem:$0x3F9E] =	sst lr;
	_ =	strace $0xD0000000  }
0x3: {  	_ = 	snop  }
0x4: {  	_ = 	snop  }
0x5: {  	_ = 	snop  }
0x6: {  	_ = 	snop  }
0x7: {  	_ = 	snop  }
__scs_overlays_trampoline_lowered:
0x8: {  	[smem:$0x3FAD] =	sst s0  }
0x9: {  	[smem:$0x3FAE] =	sst s1  }
0xa: {  	[smem:$0x3FAF] =	sst s2  }
0xb: {  	[smem:$0x3FB0] =	sst s3  }
0xc: {  	[smem:$0x3FB1] =	sst s4  }
0xd: {  	[smem:$0x3FB2] =	sst s5  }
0xe: {  	[smem:$0x3FB3] =	sst s6  }
0xf: {  	[smem:$0x3FB4] =	sst s7  }
0x10: {  	[smem:$0x3FB5] =	sst s8  }
0x11: {  	[smem:$0x3FB6] =	sst s9;
	s0 =	simm.s32 @!p0 $0x0  }
0x12: {  	s1 =	sld [smem:$0x3F9C];
	s0 =	simm.s32 @p0 $0x1  }
0x13: {  	[smem:$0x3FB7] =	sst s0;
	s0 =	simm.s32 @!p1 $0x0  }
0x14: {  	s2 =	sld [smem:$0x3F9B];
	s0 =	simm.s32 @p1 $0x1  }
0x15: {  	[smem:$0x3FB8] =	sst s0;
	s0 =	simm.s32 @!p2 $0x0  }
0x16: {  	s3 =	sld [smem:$0x3FDB];
	s0 =	simm.s32 @p2 $0x1  }
0x17: {  	s4 =	simm.s32 $0x1BF5;
	[smem:$0x3FBA] =	sst s0  }
0x18: {  	s0 =	sld [smem:$0x3F9D];
	_ =	swait.ge [sflag:s4], $0x0  }
0x19: {  	s7 =	sld [smem:$0x3F9E]  }
0x1a: {  	s8 =	sadd.s32 $0xFFFFE003, lr  }
0x1b: {  	s9 =	sadd.s32 $0xFFFFFEF7, lr;
	s5 =	simm.s32 $0xFFFFFFFF;
	p2 =	slt.u32 s8, $0xFFFFF086  }
0x1c: {  	p1 =	slt.u32 s9, $0xF7A;
	s5 =	simm.s32 @!p2 $0x0  }
0x1d: {  	s5 =	simm.s32 @p1 $0x1;
	p0 =	seq.s32 s7, s2  }
0x1e: {  	s7 =	smul.u32 @!p0 $0xF7A, s2;
	p2 =	seq.s32 @!p0 s5, $0x0  }
0x1f: {  	s9 =	smul.u32 $0xF7A, s1;
	s8 =	simm.s32 @!p0 $0x1BF5;
	p2 =	por !p2, p0  }
0x20: {  	[sflag:s8] =	ssyncset.s32 @!p0 $0xFFFFF086;
	s6 =	sadd.s32 @!p0 s3, s7;
	s7 =	simm.s32 @!p0 $0x108  }
0x21: {  	s3 =	sadd.s32 s3, s9;
	s6 =	sadd.s32 @!p0 $0x88, s6;
	s7 =	simm.s32 @p2 $0x1082  }
0x22: {  	[simem:s7], [sflag:s8] =	dma.local @!p0 [hbm:s6], $0xF7A  }
0x23: {  	s9 =	sor.u32 $0xD0000000, s2;
	s6 =	simm.s32 $0x108;
	_ =	swait.ge @!p0 [sflag:s8], $0x0  }
0x24: {  	s3 =	sadd.s32 $0x88, s3;
	s6 =	simm.s32 @!p1 $0x1082;
	[sflag:s4] =	ssyncset.s32 $0xFFFFF086  }
0x25: {  	[simem:s6], [sflag:s4] =	dma.local [hbm:s3], $0xF7A  }
0x26: {  	[smem:$0x3F9E] =	sst s1;
	(tag) =	ssettag s2;
	_ =	strace s9  }
0x27: {  	s1 =	sld [smem:$0x3FAE]  }
0x28: {  	s2 =	sld [smem:$0x3FAF]  }
0x29: {  	s4 =	sld [smem:$0x3FB1]  }
0x2a: {  	p0 =	seq.s32 s5, $0x0;
	s5 =	sld [smem:$0x3FB2]  }
0x2b: {  	s6 =	sld [smem:$0x3FB3]  }
0x2c: {  	s7 =	sld [smem:$0x3FB4]  }
0x2d: {  	s3 =	simm.s32 $0x108;
	s8 =	sld [smem:$0x3FB5]  }
0x2e: {  	s3 =	simm.s32 @!p0 $0x1082;
	s9 =	sld [smem:$0x3FB6]  }
0x2f: {  	lr =	sadd.s32 s0, s3;
	s0 =	sld [smem:$0x3FAD]  }
0x30: {  	s3 =	sld [smem:$0x3FB0]  }
0x31: {  	[smem:$0x3FB9] =	sst s10  }
0x32: {  	s10 =	sld [smem:$0x3FB7];
	_ =	sdelay $0x3  }
0x33: {  	p0 =	seq.s32 s10, $0x1;
	s10 =	sld [smem:$0x3FB9];
	_ =	sdelay $0x3  }
0x34: {  	[smem:$0x3FB9] =	sst s10  }
0x35: {  	s10 =	sld [smem:$0x3FB8];
	_ =	sdelay $0x3  }
0x36: {  	p1 =	seq.s32 s10, $0x1;
	s10 =	sld [smem:$0x3FB9];
	_ =	sdelay $0x3  }
0x37: {  	[smem:$0x3FB9] =	sst s10  }
0x38: {  	s10 =	sld [smem:$0x3FBA]  }
0x39: {  	_ = 	snop;
	(pc) =	sbr.ind lr, $3  }
0x3a: {  	_ = 	snop  }
0x3b: {  	_ = 	snop  }
0x3c: {  	p2 =	seq.s32 s10, $0x1;
	s10 =	sld [smem:$0x3FB9]  }
0x3d: {  	_ =	shalt  }
0x3e: {  	_ =	shalt  }
0x3f: {  	_ =	shalt  }
0x40: {  	_ =	shalt  }
0x41: {  	_ =	shalt  }
0x42: {  	_ =	shalt  }
0x43: {  	_ =	shalt  }
0x44: {  	_ =	shalt  }
0x45: {  	_ =	shalt  }
0x46: {  	_ =	shalt  }
0x47: {  	_ =	shalt  }
0x48: {  	_ =	shalt  }
0x49: {  	_ =	shalt  }
0x4a: {  	_ =	shalt  }
0x4b: {  	_ =	shalt  }
0x4c: {  	_ =	shalt  }
0x4d: {  	_ =	shalt  }
0x4e: {  	_ =	shalt  }
0x4f: {  	_ =	shalt  }
0x50: {  	_ =	shalt  }
0x51: {  	_ =	shalt  }
0x52: {  	_ =	shalt  }
0x53: {  	_ =	shalt  }
0x54: {  	_ =	shalt  }
0x55: {  	_ =	shalt  }
0x56: {  	_ =	shalt  }
0x57: {  	_ =	shalt  }
0x58: {  	_ =	shalt  }
0x59: {  	_ =	shalt  }
0x5a: {  	_ =	shalt  }
0x5b: {  	_ =	shalt  }
0x5c: {  	_ =	shalt  }
0x5d: {  	_ =	shalt  }
0x5e: {  	_ =	shalt  }
0x5f: {  	_ =	shalt  }
0x60: {  	_ =	shalt  }
0x61: {  	_ =	shalt  }
0x62: {  	_ =	shalt  }
0x63: {  	_ =	shalt  }
0x64: {  	_ =	shalt  }
0x65: {  	_ =	shalt  }
0x66: {  	_ =	shalt  }
0x67: {  	_ =	shalt  }
0x68: {  	_ =	shalt  }
0x69: {  	_ =	shalt  }
0x6a: {  	_ =	shalt  }
0x6b: {  	_ =	shalt  }
0x6c: {  	_ =	shalt  }
0x6d: {  	_ =	shalt  }
0x6e: {  	_ =	shalt  }
0x6f: {  	_ =	shalt  }
0x70: {  	_ =	shalt  }
0x71: {  	_ =	shalt  }
0x72: {  	_ =	shalt  }
0x73: {  	_ =	shalt  }
0x74: {  	_ =	shalt  }
0x75: {  	_ =	shalt  }
0x76: {  	_ =	shalt  }
0x77: {  	_ =	shalt  }
0x78: {  	_ =	shalt  }
0x79: {  	_ =	shalt  }
0x7a: {  	_ =	shalt  }
0x7b: {  	_ =	shalt  }
0x7c: {  	_ =	shalt  }
0x7d: {  	_ =	shalt  }
0x7e: {  	_ =	shalt  }
0x7f: {  	_ =	shalt  }
0x80: {  	_ =	shalt  }
0x81: {  	_ =	shalt  }
0x82: {  	_ =	shalt  }
0x83: {  	_ =	shalt  }
0x84: {  	_ =	shalt  }
0x85: {  	_ =	shalt  }
0x86: {  	_ =	shalt  }
0x87: {  	_ =	shalt  }
.Lfunc_end0:
.L_simem_size_0:
called_computation_lowered:
.L_overlay_start_0:
0x88: {  	s2 =	sld [smem:$0x3FD9]  }
0x89: {  	s3 =	sld [smem:$0x3FFE];
	_ =	sdelay $0x1  }
0x8a: {  	s1 =	srdreg.scid  }
0x8b: {  	s0 =	sand.u32 $0x1, s1  }
0x8c: {  	s17 =	sshll.u32 s0, $0xA;
	s2 =	sadd.s32 s3, s2  }
0x8d: {  	s2 =	sadd.s32 s2, s17  }
0x8e: {  	[smem:$0x3FC5] =	sst s2  }
0x8f: {  	_ = 	snop  }
0x90: {  	s2 =	sld [smem:$0x3FD0];
	(tm) =	ssettm $0x1  }
0x91: {  	s18 =	sld [smem:$0x3FFB];
	_ =	sdelay $0x3  }
0x92: {  	_ =	strace s18  }
0x93: {  	s3 =	sld [smem:$0x3FFC];
	_ =	sdelay $0x3  }
0x94: {  	_ =	strace s3  }
0x95: {  	s3 =	sld [smem:$0x3FFD];
	_ =	sdelay $0x3  }
0x96: {  	_ =	strace s3  }
0x97: {  	_ =	strace $0x8FFFFFFF  }
0x98: {  	s19 =	sld [smem:$0x3FDB];
	_ =	sdelay $0x1  }
0x99: {  	s4 =	simm.s32 $_scs_section_size  }
0x9a: {  	s5 =	simm.s32 $_size__tile_overlayer_lowered;
	s6 =	simm.s32 $_tile_overlayer_lowered  }
0x9b: {  	s22 =	simm.s32 $0x1BFF;
	s21 =	sshll.u32 s6, $0x1;
	s3 =	sadd.s32 s4, s19  }
0x9c: {  	s7 =	simm.s32 $0x0;
	s20 =	sshll.u32 s5, $0x1;
	s5 =	sadd.s32 s21, s3  }
0x9d: {  	[timem:s7], [sflag:s22] =	dma.local [hbm:s5], s20  }
0x9e: {  	_ =	swait.ge [sflag:s22], s20  }
0x9f: {  	s4 =	ssub.s32 $0x0, s20;
	[sflag:s22] =	ssyncset.done $0x0  }
0xa0: {  	[sflag:s22] =	ssyncadd.s32 s4;
	_ =	sdelay $0x1  }
0xa1: {  	s23 =	simm.s32 $0x1B8B  }
0xa2: {  	_ =	swait.ge [sflag:s23], $0x1  }
0xa3: {  	[sflag:s23] =	ssyncset.done $0x0  }
0xa4: {  	s25 =	simm.s32 $0x1B8E;
	s24 =	sld [smem:$0x3FFE];
	[sflag:s23] =	ssyncadd.s32 $0xFFFFFFFF  }
0xa5: {  	s26 =	simm.s32 $execute0_lowered;
	[smem:$0x3FD2] =	sst s25  }
0xa6: {  	s5 =	sshll.u32 s26, $0x1;
	_ =	strace $0x80000046;
	[dreg:$0x1] =	wrdreg $0xFFFFFFFF  }
0xa7: {  	s28 =	simm.s32 $_size_execute0_lowered;
	s3 =	sadd.s32 s3, s5;
	[dreg:$0x0] =	wrdreg $0x0  }
0xa8: {  	s5 =	sshll.u32 s28, $0x1;
	[dreg:$0x2] =	wrdreg s3  }
0xa9: {  	[dreg:$0x3] =	wrdreg s5  }
0xaa: {  	[dreg:$0x4] =	wrdreg $0xC0  }
0xab: {  	_ =	task [dreg:s7], $0x5FFFF  }
0xac: {  	[dreg:$0x1] =	wrdreg $0xFFFFFFFF  }
0xad: {  	[dreg:$0x0] =	wrdreg $0x60  }
0xae: {  	[dreg:$0x2] =	wrdreg s24  }
0xaf: {  	[dreg:$0x3] =	wrdreg s2  }
0xb0: {  	[dreg:$0x4] =	wrdreg $0xDE000  }
0xb1: {  	[dreg:$0x5] =	wrdreg $0x9  }
0xb2: {  	_ =	task.clear_ibuf [dreg:s7], $0x6FFFF;
	_ =	strace $0x90000046  }
0xb3: {  	s29 =	simm.s32 $0x9;
	_ =	strace $0x80000048  }
0xb4: {  	_ =	swait.ge [sflag:s29], $0x1  }
0xb5: {  	[sflag:s29] =	ssyncadd.s32 $0xFFFFFFFF  }
0xb6: {  	_ =	strace $0x90000048  }
0xb7: {  	_ =	sfence  }
0xb8: {  	s30 =	sld [smem:$0x0];
	_ =	sdelay $0x2  }
0xb9: {  	s31 =	sshll.u32 s1, $0xD;
	s1 =	sshrl.u32 s1, $0x2  }
0xba: {  	s3 =	sand.u32 $0x4000, s31;
	s1 =	sadd.s32 s1, s30  }
0xbb: {  	s0 =	sor.u32 s3, s0;
	s1 =	sshll.u32 s1, $0x11  }
0xbc: {  	s0 =	sor.u32 s1, s0  }
0xbd: {  	s0 =	sadd.s32 $0x8F2B, s0  }
0xbe: {  	[sflag:s0] =	ssyncadd.remote.s32 $0x1  }
0xbf: {  	_ =	sfence.sel $0xFFFF  }
0xc0: {  	[dreg:$0x0] =	wrdreg $0xFFFFFFFF;
	(pc) =	sbr.abs _section_cstart, $3  }
0xc1: {  	[dreg:$0x1] =	wrdreg $0xFFFFFFFF  }
0xc2: {  	_ =	task.clear_ibuf [dreg:s7], $0x2FFFF;
	_ =	strace $0x9FFFFFFF  }
0xc3: {  	(tm) =	ssettm $0x7FFFFFFF  }
tec
execute0_lowered:
.L_overlay_start_1:
0x0: {  	(tag) =	ssettag $0x1  }
0x1: {  	s0 =	rddreg [dreg:$0x0]  }
0x2: {  	s1 =	rddreg [dreg:$0x1]  }
0x3: {  	s2 =	rddreg [dreg:$0x2]  }
0x4: {  	s3 =	simm.s32 $0x0;
	s8 =	stileid.u32;
	s5 =	srdreg.scid  }
0x5: {  	s28 =	simm.s32 $0xBE00;
	s29 =	simm.s32 $0x1;
	s30 =	simm.s32 $0x2  }
0x6: {  	s31 =	simm.s32 $0x4E80;
	[smem:$0x7FF] =	sst s3;
	s4 =	smul.u32 $0x278, s8  }
0x7: {  	s5 =	sand.u32 $0x1, s5;
	s9 =	smul.u32 $0x4F00, s8;
	s10 =	sadd.s32 $0x200, s0  }
0x8: {  	s6 =	sadd.s32 $0x27A00, s0;
	s7 =	sadd.s32 $0xC5A00, s0;
	s13 =	smul.u32 $0x9E00, s8  }
0x9: {  	s8 =	sadd.s32 $0xC6E00, s0;
	s11 =	smul.u32 $0x9E000, s5;
	s12 =	ssub.s32 $0x2, s5  }
0xa: {  	_ =	strace $0x80000047;
	s18 =	smul.u32 $0x2780, s5;
	s14 =	sshrl.u32 s12, $0x1  }
0xb: {  	s15 =	sshrl.u32 s9, $0x3;
	s16 =	sadd.s32 $0x80, s4;
	s22 =	sadd.s32 $0x100, s4  }
0xc: {  	s26 =	sadd.s32 $0x180, s4;
	s0 =	ssub.s32 s12, s14;
	s1 =	sadd.s32 s1, s15  }
0xd: {  	s14 =	sadd.s32 s13, s11;
	s15 =	sadd.s32 s4, s18;
	s17 =	sshll.u32 s16, $0x6  }
0xe: {  	s21 =	sadd.s32 s18, s16;
	s24 =	sshll.u32 s22, $0x6;
	s16 =	sshll.u32 s26, $0x6  }
0xf: {  	[dreg:$0x4] =	wrdreg s1;
	s1 =	sshrl.u32 s14, $0x3;
	s12 =	sshll.u32 s15, $0x3  }
0x10: {  	s20 =	sadd.s32 s11, s17;
	s23 =	sshll.u32 s21, $0x3;
	s25 =	sadd.s32 s11, s24  }
0x11: {  	s17 =	sadd.s32 s18, s22;
	s16 =	sadd.s32 s11, s16;
	s1 =	sadd.s32 s10, s1  }
0x12: {  	s19 =	sadd.s32 s8, s12;
	[dreg:$0x5] =	wrdreg s1;
	s1 =	sshrl.u32 s20, $0x3  }
0x13: {  	s21 =	sadd.s32 s18, s26;
	[dreg:$0x6] =	wrdreg s19;
	s1 =	sadd.s32 s10, s1  }
0x14: {  	[dreg:$0x7] =	wrdreg s1;
	s1 =	sadd.s32 s8, s23;
	s23 =	smul.u32 $0x4F000, s5  }
0x15: {  	s19 =	sshll.u32 s17, $0x3;
	[dreg:$0x8] =	wrdreg s1;
	s1 =	sshrl.u32 s25, $0x3  }
0x16: {  	s20 =	sshrl.u32 s16, $0x3;
	s1 =	sadd.s32 s10, s1;
	s9 =	sadd.s32 s9, s23  }
0x17: {  	s23 =	simm.s32 $0x0;
	[dreg:$0x9] =	wrdreg s1;
	s1 =	sadd.s32 s8, s19  }
0x18: {  	s19 =	sadd.s32 $0x200, s4;
	[dreg:$0xa] =	wrdreg s1;
	s1 =	sadd.s32 s10, s20  }
0x19: {  	s22 =	sshll.u32 s19, $0x6;
	s25 =	sadd.s32 s18, s19;
	s20 =	sadd.s32 s13, s2  }
0x1a: {  	[dreg:$0xb] =	wrdreg s1;
	s1 =	sshll.u32 s21, $0x3;
	s11 =	sadd.s32 s11, s22  }
0x1b: {  	s26 =	sshll.u32 s25, $0x3;
	s21 =	sadd.s32 $0xFFF62000, s9;
	s22 =	smax.u32 s0, $0x1  }
0x1c: {  	s25 =	simm.s32 $0x9E00;
	s0 =	simm.s32 $0x9D00;
	s17 =	sadd.s32 s8, s1  }
0x1d: {  	s24 =	sshrl.u32 s11, $0x3;
	s19 =	sadd.s32 s8, s26;
	s26 =	simm.s32 $0x80  }
0x1e: {  	s1 =	simm.s32 $0x9D80;
	s18 =	sadd.s32 s10, s24;
	s24 =	simm.s32 $0x3  }
.LBB2_1:
0x1f: {  	s9 =	rddreg [dreg:$0x4];
	s10 =	simm.s32 $0x4F00  }
0x20: {  	[tilespmem:s10], [sflag:$0x3] =	stream.linear.gather [hbm4b:s9+s3], $0x4F00, $0x38;
	[tilespmem:$0x17C00] =	vst v63  }
0x21: {  	_ =	swait.ge [sflag:s24], $0x4F00  }
0x22: {  	[sflag:s24] =	ssyncset.done $0x0  }
0x23: {  	s16 =	rddreg [dreg:$0x5];
	[sflag:s24] =	ssyncadd.s32 $0xFFFFB100  }
0x24: {  	[tilespmem:s25], [sflag:$0x3] =	stream.linear.gather [hbm4b:s16+s3], $0x2000, $0x38;
	[tilespmem:$0x17C00] =	vst v63  }
0x25: {  	_ =	swait.ge [sflag:s24], $0x2000  }
0x26: {  	[sflag:s24] =	ssyncset.done $0x0  }
0x27: {  	s10 =	rddreg [dreg:$0x6];
	[sflag:s24] =	ssyncadd.s32 $0xFFFFE000  }
0x28: {  	[hbm4b:s10+s3] =	stream.linear.scatter [tilespmem:s25], [sflag:$0x3], $0x2000, $0x38;
	[tilespmem:$0x17C00] =	vst v63  }
0x29: {  	_ =	swait.ge [sflag:s24], $0x2000  }
0x2a: {  	[sflag:s24] =	ssyncset.done $0x0  }
0x2b: {  	s11 =	rddreg [dreg:$0x7];
	[sflag:s24] =	ssyncadd.s32 $0xFFFFE000  }
0x2c: {  	[tilespmem:s25], [sflag:$0x3] =	stream.linear.gather [hbm4b:s11+s3], $0x2000, $0x38;
	[tilespmem:$0x17C00] =	vst v63  }
0x2d: {  	_ =	swait.ge [sflag:s24], $0x2000  }
0x2e: {  	[sflag:s24] =	ssyncset.done $0x0  }
0x2f: {  	s12 =	rddreg [dreg:$0x8];
	[sflag:s24] =	ssyncadd.s32 $0xFFFFE000  }
0x30: {  	[hbm4b:s12+s3] =	stream.linear.scatter [tilespmem:s25], [sflag:$0x3], $0x2000, $0x38;
	[tilespmem:$0x17C00] =	vst v63  }
0x31: {  	_ =	swait.ge [sflag:s24], $0x2000  }
0x32: {  	[sflag:s24] =	ssyncset.done $0x0  }
0x33: {  	s13 =	rddreg [dreg:$0x9];
	[sflag:s24] =	ssyncadd.s32 $0xFFFFE000  }
0x34: {  	[tilespmem:s25], [sflag:$0x3] =	stream.linear.gather [hbm4b:s13+s3], $0x2000, $0x38;
	[tilespmem:$0x17C00] =	vst v63  }
0x35: {  	_ =	swait.ge [sflag:s24], $0x2000  }
0x36: {  	[sflag:s24] =	ssyncset.done $0x0  }
0x37: {  	s14 =	rddreg [dreg:$0xa];
	[sflag:s24] =	ssyncadd.s32 $0xFFFFE000  }
0x38: {  	[hbm4b:s14+s3] =	stream.linear.scatter [tilespmem:s25], [sflag:$0x3], $0x2000, $0x38;
	[tilespmem:$0x17C00] =	vst v63  }
0x39: {  	_ =	swait.ge [sflag:s24], $0x2000  }
0x3a: {  	[sflag:s24] =	ssyncset.done $0x0  }
0x3b: {  	s15 =	rddreg [dreg:$0xb];
	[sflag:s24] =	ssyncadd.s32 $0xFFFFE000  }
0x3c: {  	[tilespmem:s25], [sflag:$0x3] =	stream.linear.gather [hbm4b:s15+s3], $0x2000, $0x38;
	[tilespmem:$0x17C00] =	vst v63  }
0x3d: {  	_ =	swait.ge [sflag:s24], $0x2000  }
0x3e: {  	[sflag:s24] =	ssyncset.done $0x0  }
0x3f: {  	[sflag:s24] =	ssyncadd.s32 $0xFFFFE000  }
0x40: {  	[hbm4b:s17+s3] =	stream.linear.scatter [tilespmem:s25], [sflag:$0x3], $0x2000, $0x38;
	[tilespmem:$0x17C00] =	vst v63  }
0x41: {  	_ =	swait.ge [sflag:s24], $0x2000  }
0x42: {  	[sflag:s24] =	ssyncset.done $0x0  }
0x43: {  	[sflag:s24] =	ssyncadd.s32 $0xFFFFE000  }
0x44: {  	[tilespmem:s25], [sflag:$0x3] =	stream.linear.gather [hbm4b:s18+s3], $0x1E00, $0x38;
	[tilespmem:$0x17C00] =	vst v63  }
0x45: {  	_ =	swait.ge [sflag:s24], $0x1E00  }
0x46: {  	[sflag:s24] =	ssyncset.done $0x0  }
0x47: {  	[sflag:s24] =	ssyncadd.s32 $0xFFFFE200  }
0x48: {  	[hbm4b:s19+s3] =	stream.linear.scatter [tilespmem:s25], [sflag:$0x3], $0x1E00, $0x38;
	[tilespmem:$0x17C00] =	vst v63  }
0x49: {  	s16 =	stileid.u32;
	_ =	swait.ge [sflag:s24], $0x1E00  }
0x4a: {  	s9 =	sshll.u32 s16, $0x6;
	[sflag:s24] =	ssyncset.done $0x0  }
0x4b: {  	s9 =	sor.u32 $0x1C03, s9;
	s10 =	sshrl.u32 s20, $0x3;
	[sflag:s24] =	ssyncadd.s32 $0xFFFFE200  }
0x4c: {  	[spmem:s10], [sflag:s9] =	dma.local [hbm:s7], $0x13C0  }
0x4d: {  	_ =	swait.ge [sflag:s24], $0x13C0  }
0x4e: {  	[sflag:s24] =	ssyncset.done $0x0  }
0x4f: {  	[sflag:s24] =	ssyncadd.s32 $0xFFFFEC40  }
0x50: {  	s11 =	simm.s32 $0x1;
	[bflag:$0x0] =	sbarrier.arrive $0xFFFF  }
.LBB2_2:
0x51: {  	s12 =	smul.u32 $0x9E000, s11;
	_ =	sdelay $0x1  }
0x52: {  	s12 =	sadd.s32 s12, s21  }
0x53: {  	s12 =	sshrl.u32 s12, $0x3  }
0x54: {  	s13 =	simm.s32 $0x0;
	s12 =	sadd.s32 s6, s12  }
0x55: {  	[tilespmem:s13], [sflag:$0x3] =	stream.linear.gather [hbm4b:s12+s13], $0x4F00, $0x38;
	[tilespmem:$0x17C00] =	vst v63  }
0x56: {  	_ =	swait.ge [sflag:s24], $0x4F00  }
0x57: {  	[sflag:s24] =	ssyncset.done $0x0  }
0x58: {  	[sflag:s24] =	ssyncadd.s32 $0xFFFFB100  }
0x59: {  	[tilespmem:s25], [sflag:$0x1] =	stream.indirect.gather [hbm4b:s8+s26], $0x40, s13, s26, $0xb8;
	[tilespmem:$0x17C00] =	vst v63  }
0x5a: {  	s13 =	simm.s32 $0x80  }
0x5b: {  	[tilespmem:s28], [sflag:$0x2] =	stream.indirect.gather [hbm4b:s8+s26], $0x40, s13, s26, $0xb8;
	[tilespmem:$0x17C00] =	vst v63  }
0x5c: {  	_ =	swait.ge [sflag:s29], $0x2000  }
0x5d: {  	[sflag:s29] =	ssyncset.done $0x0  }
0x5e: {  	s14 =	simm.s32 $0x4F00;
	[sflag:s29] =	ssyncadd.s32 $0xFFFFE000  }
0x5f: {  	[spmem:s2] =	stream.indirect.scatter.add.f32 [tilespmem:s25], [sflag:$0x3], $0x40, s14, s26, $0xb8;
	[tilespmem:$0x17C00] =	vst v63  }
0x60: {  	_ =	swait.ge [sflag:s24], $0x2000  }
0x61: {  	[sflag:s24] =	ssyncset.done $0x0  }
0x62: {  	s15 =	simm.s32 $0x100;
	[sflag:s24] =	ssyncadd.s32 $0xFFFFE000  }
0x63: {  	[tilespmem:s25], [sflag:$0x1] =	stream.indirect.gather [hbm4b:s8+s26], $0x40, s15, s26, $0xb8;
	[tilespmem:$0x17C00] =	vst v63  }
0x64: {  	_ =	swait.ge [sflag:s30], $0x2000  }
0x65: {  	[sflag:s30] =	ssyncset.done $0x0  }
0x66: {  	s16 =	simm.s32 $0x4F80;
	[sflag:s30] =	ssyncadd.s32 $0xFFFFE000  }
0x67: {  	[spmem:s2] =	stream.indirect.scatter.add.f32 [tilespmem:s28], [sflag:$0x3], $0x40, s16, s26, $0xb8;
	[tilespmem:$0x17C00] =	vst v63  }
0x68: {  	_ =	swait.ge [sflag:s24], $0x2000  }
0x69: {  	s12 =	simm.s32 $0x100;
	s13 =	simm.s32 $0x800;
	[sflag:s24] =	ssyncset.done $0x0  }
.LBB2_3:
0x6a: {  	s14 =	sadd.s32 $0x80, s12  }
0x6b: {  	[sflag:s24] =	ssyncadd.s32 $0xFFFFE000;
	s15 =	smov.u32 s13;
	s16 =	sadd.s32 $0x400, s13  }
0x6c: {  	[tilespmem:s28], [sflag:$0x2] =	stream.indirect.gather [hbm4b:s8+s26], $0x40, s14, s26, $0xb8;
	[tilespmem:$0x17C00] =	vst v63  }
0x6d: {  	p0 =	sne.s32 s13, $0x13400;
	_ =	swait.ge [sflag:s29], $0x2000  }
0x6e: {  	[sflag:s29] =	ssyncset.done $0x0  }
0x6f: {  	s13 =	sadd.s32 $0x4F00, s12;
	[sflag:s29] =	ssyncadd.s32 $0xFFFFE000  }
0x70: {  	[spmem:s2] =	stream.indirect.scatter.add.f32 [tilespmem:s25], [sflag:$0x3], $0x40, s13, s26, $0xb8;
	[tilespmem:$0x17C00] =	vst v63  }
0x71: {  	_ =	swait.ge [sflag:s24], $0x2000  }
0x72: {  	[sflag:s24] =	ssyncset.done $0x0  }
0x73: {  	s13 =	sadd.s32 $0x100, s12;
	[sflag:s24] =	ssyncadd.s32 $0xFFFFE000  }
0x74: {  	[tilespmem:s25], [sflag:$0x1] =	stream.indirect.gather [hbm4b:s8+s26], $0x40, s13, s26, $0xb8;
	[tilespmem:$0x17C00] =	vst v63  }
0x75: {  	_ =	swait.ge [sflag:s30], $0x2000  }
.Ltmp0:
0x76: {  	[sflag:s30] =	ssyncset.done $0x0;
	(pc) =	sbr.rel @p0 .LBB2_3-.Ltmp0, $4  }
0x77: {  	s12 =	sadd.s32 $0x4F80, s12;
	[sflag:s30] =	ssyncadd.s32 $0xFFFFE000  }
0x78: {  	[spmem:s2] =	stream.indirect.scatter.add.f32 [tilespmem:s28], [sflag:$0x3], $0x40, s12, s26, $0xb8;
	[tilespmem:$0x17C00] =	vst v63  }
0x79: {  	_ =	swait.ge [sflag:s24], $0x2000  }
0x7a: {  	s13 =	smov.u32 s16;
	s12 =	sshra.s32 s15, $0x2;
	[sflag:s24] =	ssyncset.done $0x0  }
0x7b: {  	s13 =	sadd.s32 $0x80, s12;
	[sflag:s24] =	ssyncadd.s32 $0xFFFFE000  }
0x7c: {  	[tilespmem:s28], [sflag:$0x2] =	stream.indirect.gather [hbm4b:s8+s26], $0x40, s13, s26, $0xb8;
	[tilespmem:$0x17C00] =	vst v63  }
0x7d: {  	_ =	swait.ge [sflag:s29], $0x2000  }
0x7e: {  	[sflag:s29] =	ssyncset.done $0x0  }
0x7f: {  	s16 =	sadd.s32 $0x4F00, s12;
	[sflag:s29] =	ssyncadd.s32 $0xFFFFE000  }
0x80: {  	[spmem:s2] =	stream.indirect.scatter.add.f32 [tilespmem:s25], [sflag:$0x3], $0x40, s16, s26, $0xb8;
	[tilespmem:$0x17C00] =	vst v63  }
0x81: {  	_ =	swait.ge [sflag:s24], $0x2000  }
0x82: {  	[sflag:s24] =	ssyncset.done $0x0  }
0x83: {  	s14 =	sadd.s32 $0x100, s12;
	[sflag:s24] =	ssyncadd.s32 $0xFFFFE000  }
0x84: {  	[tilespmem:s25], [sflag:$0x1] =	stream.indirect.gather [hbm4b:s8+s26], $0x40, s14, s26, $0xb8;
	[tilespmem:$0x17C00] =	vst v63  }
0x85: {  	_ =	swait.ge [sflag:s30], $0x2000  }
0x86: {  	[sflag:s30] =	ssyncset.done $0x0  }
0x87: {  	s15 =	sadd.s32 $0x4F80, s12;
	[sflag:s30] =	ssyncadd.s32 $0xFFFFE000  }
0x88: {  	[spmem:s2] =	stream.indirect.scatter.add.f32 [tilespmem:s28], [sflag:$0x3], $0x40, s15, s26, $0xb8;
	[tilespmem:$0x17C00] =	vst v63  }
0x89: {  	_ =	swait.ge [sflag:s24], $0x2000  }
0x8a: {  	[sflag:s24] =	ssyncset.done $0x0  }
0x8b: {  	[sflag:s24] =	ssyncadd.s32 $0xFFFFE000  }
0x8c: {  	[tilespmem:s28], [sflag:$0x2] =	stream.indirect.gather [hbm4b:s8+s26], $0x40, s31, s26, $0xb8;
	[tilespmem:$0x17C00] =	vst v63  }
0x8d: {  	_ =	swait.ge [sflag:s29], $0x2000  }
0x8e: {  	[sflag:s29] =	ssyncset.done $0x0  }
0x8f: {  	[sflag:s29] =	ssyncadd.s32 $0xFFFFE000  }
0x90: {  	[spmem:s2] =	stream.indirect.scatter.add.f32 [tilespmem:s25], [sflag:$0x3], $0x40, s0, s26, $0xb8;
	[tilespmem:$0x17C00] =	vst v63  }
0x91: {  	_ =	swait.ge [sflag:s24], $0x2000  }
0x92: {  	[sflag:s24] =	ssyncset.done $0x0  }
0x93: {  	[sflag:s24] =	ssyncadd.s32 $0xFFFFE000  }
0x94: {  	s16 =	sshll.u32 s11, $0x1;
	_ =	swait.ge [sflag:s30], $0x2000  }
0x95: {  	s12 =	sor.u32 s5, s16;
	[sflag:s30] =	ssyncset.done $0x0  }
0x96: {  	s12 =	smul.u32 $0x2780, s12;
	[sflag:s30] =	ssyncadd.s32 $0xFFFFE000  }
0x97: {  	[spmem:s2] =	stream.indirect.scatter.add.f32 [tilespmem:s28], [sflag:$0x3], $0x40, s1, s26, $0xb8;
	[tilespmem:$0x17C00] =	vst v63  }
0x98: {  	s12 =	sadd.s32 s4, s12;
	_ =	swait.ge [sflag:s24], $0x2000  }
0x99: {  	s12 =	sshll.u32 s12, $0x3;
	[sflag:s24] =	ssyncset.done $0x0  }
0x9a: {  	s12 =	sand.u32 $0x1FFFFFC0, s12;
	[sflag:s24] =	ssyncadd.s32 $0xFFFFE000  }
0x9b: {  	s12 =	sadd.s32 s8, s12;
	[bflag:$0x0] =	sbarrier.arrive $0xFFFF  }
0x9c: {  	[hbm:s12], [sflag:s9] =	dma.local [spmem:s10], $0x13C0  }
0x9d: {  	_ =	swait.ge [sflag:s24], $0x13C0  }
0x9e: {  	s11 =	sadd.s32 $0x1, s11;
	[sflag:s24] =	ssyncset.done $0x0  }
0x9f: {  	p0 =	sne.s32 s11, $0x9;
	[sflag:s24] =	ssyncadd.s32 $0xFFFFEC40  }
0xa0: {  	[spmem:s10], [sflag:s9] =	dma.local [hbm:s7], $0x13C0  }
.Ltmp1:
0xa1: {  	_ =	swait.ge [sflag:s24], $0x13C0;
	(pc) =	sbr.rel @p0 .LBB2_2-.Ltmp1, $3  }
0xa2: {  	[sflag:s24] =	ssyncset.done $0x0  }
0xa3: {  	[sflag:s24] =	ssyncadd.s32 $0xFFFFEC40  }
0xa4: {  	[bflag:$0x0] =	sbarrier.arrive $0xFFFF;
	_ =	sdelay $0x1  }
0xa5: {  	s23 =	sadd.s32 $0x1, s23  }
0xa6: {  	p0 =	sne.s32 s23, s22  }
.Ltmp2:
0xa7: {  	_ = 	snop;
	(pc) =	sbr.rel @p0 .LBB2_1-.Ltmp2, $1  }
0xa8: {  	_ =	sdelay $0x3  }
0xa9: {  	_ =	sfence.sel $0x180000  }
0xaa: {  	[bflag:$0x0] =	sbarrier.arrive $0xFFFF  }
0xab: {  	_ =	strace $0x90000047  }
0xac: {  	s0 =	stileid.u32;
	[bflag:$0x2] =	sbarrier.arrive $0xFFFF  }
0xad: {  	p0 =	sne.s32 s0, $0x0;
	s0 =	rddreg [dreg:$0x3]  }
0xae: {  	s0 =	sadd.s32 @!p0 $0x100000, s0  }
0xaf: {  	[sflag:s0] =	ssyncadd.tile.s32 @!p0 $0x1;
	_ =	shalt  }
.Lfunc_end2:
_tile_overlayer_lowered:
.L_overlay_start_2:
0xb0: {  	(tag) =	ssettag $0x2  }
0xb1: {  	s0 =	rddreg [dreg:$0x0];
	s2 =	stileid.u32  }
0xb2: {  	s1 =	rddreg [dreg:$0x1];
	p0 =	sne.s32 s2, $0x0  }
0xb3: {  	s3 =	rddreg [dreg:$0x2];
	[bflag:$0x3] =	sbarrier.arrive $0xFFFF;
	s2 =	simm.s32 @!p0 $0x1C03  }
0xb4: {  	[timem:s3], [sflag:s2] =	dma.local @!p0 [hbm:s0], s1  }
0xb5: {  	s0 =	simm.s32 @!p0 $0x3  }
0xb6: {  	_ =	swait.ge @!p0 [sflag:s0], s1  }
0xb7: {  	s1 =	ssub.s32 @!p0 $0x0, s1;
	[sflag:s0] =	ssyncset.done @!p0 $0x0  }
0xb8: {  	[sflag:s0] =	ssyncadd.s32 @!p0 s1  }
0xb9: {  	[bflag:$0x3] =	sbarrier.arrive $0xFFFF  }
0xba: {  	_ =	shalt  }

</sc_bundles>
